<compile_context>
chip_gen: v7x
topology: tpu7x:2x2x1
jax: 0.10.2.dev20260603
libtpu: 0.0.44.dev20260713+nightly
codegen_flags: <defaults>
</compile_context>

<pallas_src>
import functools

import jax
import jax.numpy as jnp
from jax import lax
from jax.experimental import pallas as pl
from jax.experimental.pallas import tpu as pltpu
from jax.experimental.pallas import tpu_sc as plsc

B = 16384
H = 64
AL = 128
ML = 100
SL = 128
OUT_COLS = 576

NW = 32
BPW = B // NW
ICH = 128
NCH = BPW // ICH

_EPS = 1e-5


def _sc_gather(uid, mid, user_t, music_t):
    mesh = plsc.VectorSubcoreMesh(core_axis_name="c", subcore_axis_name="s",
                                  num_cores=2, num_subcores=16)

    @functools.partial(
        pl.kernel,
        mesh=mesh,
        out_type=jax.ShapeDtypeStruct((B, 2 * H), jnp.float32),
        compiler_params=pltpu.CompilerParams(use_tc_tiling_on_sc=False),
        scratch_types=[
            pltpu.VMEM((NCH, ICH), jnp.int32),
            pltpu.VMEM((NCH, ICH), jnp.int32),
            pltpu.VMEM((BPW, H), jnp.float32),
            pltpu.VMEM((BPW, H), jnp.float32),
            pltpu.SemaphoreType.DMA,
            pltpu.SemaphoreType.DMA,
            pltpu.SemaphoreType.DMA,
            pltpu.SemaphoreType.DMA,
        ],
    )
    def body(uid_h, mid_h, ut_h, mt_h, out_h,
             idx0, idx1, buf0, buf1, g0, g1, w0, w1):
        wid = lax.axis_index("s") * 2 + lax.axis_index("c")
        base = wid * BPW
        pltpu.sync_copy(uid_h.at[wid], idx0)
        gu = [pltpu.async_copy(ut_h.at[idx0.at[j]],
                               buf0.at[pl.ds(j * ICH, ICH)], g0)
              for j in range(NCH)]
        pltpu.sync_copy(mid_h.at[wid], idx1)
        gm = [pltpu.async_copy(mt_h.at[idx1.at[j]],
                               buf1.at[pl.ds(j * ICH, ICH)], g1)
              for j in range(NCH)]
        for cp in gu:
            cp.wait()
        wu = pltpu.async_copy(
            buf0, out_h.at[pl.ds(base, BPW), pl.ds(0, H)], w0)
        for cp in gm:
            cp.wait()
        wm = pltpu.async_copy(
            buf1, out_h.at[pl.ds(base, BPW), pl.ds(H, H)], w1)
        wu.wait()
        wm.wait()

    r = lambda x: jnp.reshape(x, (NW, NCH, ICH))
    return body(r(uid), r(mid), user_t, music_t)


_NB = 4
_BB = B // _NB


def _stats(art, mom, feat):
    def body(a_ref, m_ref, f_ref, sa, qa, sm, qm, sf, qf):
        @pl.when(pl.program_id(0) == 0)
        def _():
            for r in (sa, qa, sm, qm, sf, qf):
                r[...] = jnp.zeros_like(r)

        for x_ref, s_ref, q_ref in ((a_ref, sa, qa), (m_ref, sm, qm),
                                    (f_ref, sf, qf)):
            x = x_ref[...]
            s_ref[...] += jnp.sum(x, axis=0, keepdims=True)
            q_ref[...] += jnp.sum(x * x, axis=0, keepdims=True)

    stat_spec = lambda k: pl.BlockSpec((1, k), lambda i: (0, 0))
    return pl.pallas_call(
        body,
        grid=(_NB,),
        in_specs=[
            pl.BlockSpec((_BB, AL), lambda i: (i, 0)),
            pl.BlockSpec((_BB, ML), lambda i: (i, 0)),
            pl.BlockSpec((_BB, SL), lambda i: (i, 0)),
        ],
        out_specs=[stat_spec(AL), stat_spec(AL), stat_spec(ML),
                   stat_spec(ML), stat_spec(SL), stat_spec(SL)],
        out_shape=[jax.ShapeDtypeStruct((1, k), jnp.float32)
                   for k in (AL, AL, ML, ML, SL, SL)],
    )(art, mom, feat)


def _dense(comb, idx4, age_t, gender_t, singer_t, genre_t, art, mom, feat,
           w_uf, b_uf, w_ml, b_ml, w_sf, b_sf,
           g_art, be_art, g_mom, be_mom, g_feat, be_feat,
           sa, qa, sm, qm, sf, qf):
    def body(cb_ref, ix_ref, at_ref, gt_ref, st_ref, grt_ref,
             a_ref, m_ref, f_ref,
             wa, ba, wm, bm, wf, bf,
             ga, bea, gm, bem, gf, bef,
             sa_r, qa_r, sm_r, qm_r, sf_r, qf_r, out_ref):
        def lookup(row, n, tab_ref):
            iota = lax.broadcasted_iota(jnp.int32, (n, _BB), 0)
            oh_t = jnp.where(ix_ref[row:row + 1, :] == iota.astype(jnp.float32),
                             1.0, 0.0)
            return jnp.einsum("kb,kh->bh", oh_t, tab_ref[...],
                              preferred_element_type=jnp.float32)

        out_ref[:, 0:H] = cb_ref[:, 0:H]
        out_ref[:, H:2 * H] = lookup(0, 6, at_ref)
        out_ref[:, 2 * H:3 * H] = lookup(1, 2, gt_ref)
        for x_ref, w_ref, b_ref, g_ref, be_ref, s_ref, q_ref, off in (
                (a_ref, wa, ba, ga, bea, sa_r, qa_r, 3 * H),
                (m_ref, wm, bm, gm, bem, sm_r, qm_r, 4 * H),
                (f_ref, wf, bf, gf, bef, sf_r, qf_r, 5 * H)):
            mu = s_ref[...] * (1.0 / B)
            var = q_ref[...] * (1.0 / B) - mu * mu
            sc = g_ref[...] / jnp.sqrt(var + _EPS)
            sh = be_ref[...] - mu * sc
            xn = x_ref[...] * sc + sh
            y = jnp.dot(xn, w_ref[...], preferred_element_type=jnp.float32)
            out_ref[:, off:off + H] = y + b_ref[...]
        out_ref[:, 6 * H:7 * H] = lookup(2, 417, st_ref)
        out_ref[:, 7 * H:8 * H] = lookup(3, 18, grt_ref)
        out_ref[:, 8 * H:9 * H] = cb_ref[:, H:2 * H]

    full = lambda r, c: pl.BlockSpec((r, c), lambda i: (0, 0))
    return pl.pallas_call(
        body,
        grid=(_NB,),
        in_specs=[
            pl.BlockSpec((_BB, 2 * H), lambda i: (i, 0)),
            pl.BlockSpec((4, _BB), lambda i: (0, i)),
            full(6, H), full(2, H), full(417, H), full(18, H),
            pl.BlockSpec((_BB, AL), lambda i: (i, 0)),
            pl.BlockSpec((_BB, ML), lambda i: (i, 0)),
            pl.BlockSpec((_BB, SL), lambda i: (i, 0)),
            full(AL, H), full(1, H), full(ML, H), full(1, H),
            full(SL, H), full(1, H),
            full(1, AL), full(1, AL), full(1, ML), full(1, ML),
            full(1, SL), full(1, SL),
            full(1, AL), full(1, AL), full(1, ML), full(1, ML),
            full(1, SL), full(1, SL),
        ],
        out_specs=pl.BlockSpec((_BB, OUT_COLS), lambda i: (i, 0)),
        out_shape=jax.ShapeDtypeStruct((B, OUT_COLS), jnp.float32),
        compiler_params=pltpu.CompilerParams(
            fuse_transposed_lhs_in_matmul=True),
    )(comb, idx4, age_t, gender_t, singer_t, genre_t, art, mom, feat,
      w_uf, b_uf.reshape(1, H), w_ml, b_ml.reshape(1, H),
      w_sf, b_sf.reshape(1, H),
      g_art.reshape(1, AL), be_art.reshape(1, AL),
      g_mom.reshape(1, ML), be_mom.reshape(1, ML),
      g_feat.reshape(1, SL), be_feat.reshape(1, SL),
      sa, qa, sm, qm, sf, qf)


def kernel(user_id, user_age, user_gender, user_articles, user_moments,
           music_id, music_singer, music_genre, music_features,
           UserEmb, AgeEmb, GenderEmb, SingerEmb, GenreEmb, MusicEmb,
           W_uf, b_uf, W_ml, b_ml, W_sf, b_sf,
           g_art, beta_art, g_mom, beta_mom, g_feat, beta_feat):
    sa, qa, sm, qm, sf, qf = _stats(user_articles, user_moments,
                                    music_features)
    comb = _sc_gather(user_id.astype(jnp.int32), music_id.astype(jnp.int32),
                      UserEmb, MusicEmb)
    idx4 = jnp.stack([user_age, user_gender, music_singer,
                      music_genre]).astype(jnp.float32)
    return _dense(comb, idx4, AgeEmb, GenderEmb, SingerEmb, GenreEmb,
                  user_articles, user_moments, music_features,
                  W_uf, b_uf, W_ml, b_ml, W_sf, b_sf,
                  g_art, beta_art, g_mom, beta_mom, g_feat, beta_feat,
                  sa, qa, sm, qm, sf, qf)

# --- scband reference (transcript-rebuilt; emitter-appended) ---
"""Pipeline reference for scband-field-encoder-11072425689400 (READ-ONLY COPY).

The authoritative reference and input builder live on the scoring server;
editing this copy changes nothing except your own understanding.
"""

import jax, jax.numpy as jnp
import numpy as np

B = 16384
H = 64
AL = 128
ML = 100
SL = 128

def _xavier(key, shape):
    fan_in, fan_out = shape[0], shape[1]
    a = float(np.sqrt(6.0 / (fan_in + fan_out)))
    return jax.random.uniform(key, shape, dtype=jnp.float32, minval=-a, maxval=a)

def setup_inputs(seed: int = 0):
    key = jax.random.key(seed)
    ks = jax.random.split(key, 24)
    inp = {}
    inp['user_id'] = jax.random.randint(ks[0], (B,), 0, 190662, dtype=jnp.int64) if jax.config.jax_enable_x64 else jax.random.randint(ks[0], (B,), 0, 190662).astype(jnp.int32)
    inp['user_age'] = jax.random.randint(ks[1], (B,), 0, 6)
    inp['user_gender'] = jax.random.randint(ks[2], (B,), 0, 2)
    inp['user_articles'] = jax.random.normal(ks[3], (B, AL), dtype=jnp.float32)
    inp['user_moments'] = jax.random.normal(ks[4], (B, ML), dtype=jnp.float32)
    inp['music_id'] = jax.random.randint(ks[5], (B,), 0, 42800)
    inp['music_singer'] = jax.random.randint(ks[6], (B,), 0, 417)
    inp['music_genre'] = jax.random.randint(ks[7], (B,), 0, 18)
    inp['music_features'] = jax.random.normal(ks[8], (B, SL), dtype=jnp.float32)
    # parameters
    inp['UserEmb'] = _xavier(ks[9], (190662, H))
    inp['AgeEmb'] = _xavier(ks[10], (6, H))
    inp['GenderEmb'] = _xavier(ks[11], (2, H))
    inp['SingerEmb'] = _xavier(ks[12], (417, H))
    inp['GenreEmb'] = _xavier(ks[13], (18, H))
    inp['MusicEmb'] = _xavier(ks[14], (42800, H))
    inp['W_uf'] = _xavier(ks[15], (AL, H)); inp['b_uf'] = jnp.zeros((H,), jnp.float32)
    inp['W_ml'] = _xavier(ks[16], (ML, H)); inp['b_ml'] = jnp.zeros((H,), jnp.float32)
    inp['W_sf'] = _xavier(ks[17], (SL, H)); inp['b_sf'] = jnp.zeros((H,), jnp.float32)
    inp['g_art'] = jnp.ones((AL,), jnp.float32); inp['beta_art'] = jnp.zeros((AL,), jnp.float32)
    inp['g_mom'] = jnp.ones((ML,), jnp.float32); inp['beta_mom'] = jnp.zeros((ML,), jnp.float32)
    inp['g_feat'] = jnp.ones((SL,), jnp.float32); inp['beta_feat'] = jnp.zeros((SL,), jnp.float32)
    return inp

def _batchnorm(x, gamma, beta, eps=1e-5):
    mu = jnp.mean(x, axis=0)
    var = jnp.var(x, axis=0)
    return gamma * (x - mu) / jnp.sqrt(var + eps) + beta

def reference(user_id, user_age, user_gender, user_articles, user_moments,
              music_id, music_singer, music_genre, music_features,
              UserEmb, AgeEmb, GenderEmb, SingerEmb, GenreEmb, MusicEmb,
              W_uf, b_uf, W_ml, b_ml, W_sf, b_sf,
              g_art, beta_art, g_mom, beta_mom, g_feat, beta_feat):
    uemb = jnp.take(UserEmb, user_id, axis=0)
    memb = jnp.take(MusicEmb, music_id, axis=0)
    article = _batchnorm(user_articles, g_art, beta_art)
    article = article @ W_uf + b_uf
    age = jnp.take(AgeEmb, user_age, axis=0)
    gender = jnp.take(GenderEmb, user_gender, axis=0)
    singers = jnp.take(SingerEmb, music_singer, axis=0)
    genre = jnp.take(GenreEmb, music_genre, axis=0)
    feature = _batchnorm(music_features, g_feat, beta_feat)
    feature = feature @ W_sf + b_sf
    moments = _batchnorm(user_moments, g_mom, beta_mom)
    moments = moments @ W_ml + b_ml
    out = jnp.concatenate([uemb, age, gender, article, moments, feature, singers, genre, memb], axis=1)
    return out

if __name__ == "__main__":
    import jax
    _d = setup_inputs()
    print(jax.jit(kernel)(*tuple(_d.values())))

</pallas_src>

<mosaic_0001>
#map = affine_map<(d0, d1) -> (0, 0, 0)>
#map1 = affine_map<(d0, d1) -> (0, 0)>
module attributes {stable_mosaic.version = 14 : i64} {
  func.func @body(%arg0: i32, %arg1: i32, %arg2: memref<32x4x128xi32, #tpu.memory_space<hbm>>, %arg3: memref<32x4x128xi32, #tpu.memory_space<hbm>>, %arg4: memref<190662x64xf32, #tpu.memory_space<hbm>>, %arg5: memref<42800x64xf32, #tpu.memory_space<hbm>>, %arg6: memref<16384x128xf32, #tpu.memory_space<hbm>>, %arg7: memref<4x128xi32, #tpu.memory_space<vmem>>, %arg8: memref<4x128xi32, #tpu.memory_space<vmem>>, %arg9: memref<512x64xf32, #tpu.memory_space<vmem>>, %arg10: memref<512x64xf32, #tpu.memory_space<vmem>>, %arg11: memref<!tpu.dma_semaphore, #tpu.memory_space<semaphore_mem>>, %arg12: memref<!tpu.dma_semaphore, #tpu.memory_space<semaphore_mem>>, %arg13: memref<!tpu.dma_semaphore, #tpu.memory_space<semaphore_mem>>, %arg14: memref<!tpu.dma_semaphore, #tpu.memory_space<semaphore_mem>>) attributes {dimension_semantics = [#tpu.dimension_semantics<core_parallel>, #tpu.dimension_semantics<subcore_parallel>], iteration_bounds = array<i64: 2, 16>, scalar_prefetch = 0 : i64, scratch_operands = 8 : i64, tpu.core_type = #tpu.core_type<sc_vector_subcore>, window_params = [{transform_indices = #map}, {transform_indices = #map}, {transform_indices = #map1}, {transform_indices = #map1}, {transform_indices = #map1}]} {
    %mul3A = arith.constant 2 : i32
    %mul3A_0 = arith.muli %arg1, %mul3A : i32
    %add3A = arith.addi %mul3A_0, %arg0 : i32
    %mul3A_1 = arith.constant 512 : i32
    %mul3A_2 = arith.muli %add3A, %mul3A_1 : i32
    "tpu.region"() ({
      %run_scoped3A = tpu.sem_alloc : memref<!tpu.dma_semaphore, #tpu.memory_space<semaphore_mem>>
      %dma_start3A_177 = arith.constant 0 : i32
      %dma_start3A_178 = arith.constant 0 : i32
      %dma_start3A_179 = tpu.memref_slice %arg2[%add3A, %dma_start3A_177, %dma_start3A_178] : memref<32x4x128xi32, #tpu.memory_space<hbm>> -> memref<1x4x128xi32, #tpu.memory_space<hbm>>
      %dma_start3A_180 = tpu.memref_squeeze %dma_start3A_179 : memref<1x4x128xi32, #tpu.memory_space<hbm>> -> memref<4x128xi32, #tpu.memory_space<hbm>>
      %dma_start3A_181 = arith.constant 0 : i32
      %dma_start3A_182 = arith.constant 0 : i32
      %dma_start3A_183 = tpu.memref_slice %arg2[%add3A, %dma_start3A_181, %dma_start3A_182] : memref<32x4x128xi32, #tpu.memory_space<hbm>> -> memref<1x4x128xi32, #tpu.memory_space<hbm>>
      %dma_start3A_184 = tpu.memref_squeeze %dma_start3A_183 : memref<1x4x128xi32, #tpu.memory_space<hbm>> -> memref<4x128xi32, #tpu.memory_space<hbm>>
      tpu.enqueue_dma source(%dma_start3A_184 : memref<4x128xi32, #tpu.memory_space<hbm>>) target(%arg7 : memref<4x128xi32, #tpu.memory_space<vmem>>) target_semaphore(%run_scoped3A : memref<!tpu.dma_semaphore, #tpu.memory_space<semaphore_mem>>)
      %dma_wait3A_185 = arith.constant 0 : i32
      %dma_wait3A_186 = arith.constant 0 : i32
      %dma_wait3A_187 = tpu.memref_slice %arg2[%add3A, %dma_wait3A_185, %dma_wait3A_186] : memref<32x4x128xi32, #tpu.memory_space<hbm>> -> memref<1x4x128xi32, #tpu.memory_space<hbm>>
      %dma_wait3A_188 = tpu.memref_squeeze %dma_wait3A_187 : memref<1x4x128xi32, #tpu.memory_space<hbm>> -> memref<4x128xi32, #tpu.memory_space<hbm>>
      %dma_wait3A_189 = arith.constant 0 : i32
      %dma_wait3A_190 = arith.constant 0 : i32
      %dma_wait3A_191 = tpu.memref_slice %arg2[%add3A, %dma_wait3A_189, %dma_wait3A_190] : memref<32x4x128xi32, #tpu.memory_space<hbm>> -> memref<1x4x128xi32, #tpu.memory_space<hbm>>
      %dma_wait3A_192 = tpu.memref_squeeze %dma_wait3A_191 : memref<1x4x128xi32, #tpu.memory_space<hbm>> -> memref<4x128xi32, #tpu.memory_space<hbm>>
      tpu.wait_dma2 semaphore(%run_scoped3A : memref<!tpu.dma_semaphore, #tpu.memory_space<semaphore_mem>>) src(%dma_wait3A_192 : memref<4x128xi32, #tpu.memory_space<hbm>>) dst(%arg7 : memref<4x128xi32, #tpu.memory_space<vmem>>)
      tpu.yield
    }) : () -> ()
    %dma_start3A = arith.constant 0 : i32
    %dma_start3A_3 = arith.constant 0 : i32
    %dma_start3A_4 = arith.constant 0 : i32
    %dma_start3A_5 = tpu.memref_slice %arg9[%dma_start3A_3, %dma_start3A_4] : memref<512x64xf32, #tpu.memory_space<vmem>> -> memref<128x64xf32, #tpu.memory_space<vmem>>
    %dma_start3A_6 = arith.constant 0 : i32
    %dma_start3A_7 = tpu.memref_slice %arg7[%dma_start3A, %dma_start3A_6] : memref<4x128xi32, #tpu.memory_space<vmem>> -> memref<1x128xi32, #tpu.memory_space<vmem>>
    %dma_start3A_8 = tpu.memref_squeeze %dma_start3A_7 : memref<1x128xi32, #tpu.memory_space<vmem>> -> memref<128xi32, #tpu.memory_space<vmem>>
    %dma_start3A_9 = arith.constant 0 : i32
    %dma_start3A_10 = arith.constant 0 : i32
    %dma_start3A_11 = tpu.memref_slice %arg4[%dma_start3A_9, %dma_start3A_10] : memref<190662x64xf32, #tpu.memory_space<hbm>> -> memref<190662x64xf32, #tpu.memory_space<hbm>>
    tpu.enqueue_indirect_dma source(%dma_start3A_11 : memref<190662x64xf32, #tpu.memory_space<hbm>>) target(%dma_start3A_5 : memref<128x64xf32, #tpu.memory_space<vmem>>) offsets(%dma_start3A_8 : memref<128xi32, #tpu.memory_space<vmem>>) semaphore(%arg11 : memref<!tpu.dma_semaphore, #tpu.memory_space<semaphore_mem>>)
    %dma_start3A_12 = arith.constant 1 : i32
    %dma_start3A_13 = arith.constant 128 : i32
    %dma_start3A_14 = arith.constant 0 : i32
    %dma_start3A_15 = tpu.memref_slice %arg9[%dma_start3A_13, %dma_start3A_14] : memref<512x64xf32, #tpu.memory_space<vmem>> -> memref<128x64xf32, #tpu.memory_space<vmem>>
    %dma_start3A_16 = arith.constant 0 : i32
    %dma_start3A_17 = tpu.memref_slice %arg7[%dma_start3A_12, %dma_start3A_16] : memref<4x128xi32, #tpu.memory_space<vmem>> -> memref<1x128xi32, #tpu.memory_space<vmem>>
    %dma_start3A_18 = tpu.memref_squeeze %dma_start3A_17 : memref<1x128xi32, #tpu.memory_space<vmem>> -> memref<128xi32, #tpu.memory_space<vmem>>
    %dma_start3A_19 = arith.constant 0 : i32
    %dma_start3A_20 = arith.constant 0 : i32
    %dma_start3A_21 = tpu.memref_slice %arg4[%dma_start3A_19, %dma_start3A_20] : memref<190662x64xf32, #tpu.memory_space<hbm>> -> memref<190662x64xf32, #tpu.memory_space<hbm>>
    tpu.enqueue_indirect_dma source(%dma_start3A_21 : memref<190662x64xf32, #tpu.memory_space<hbm>>) target(%dma_start3A_15 : memref<128x64xf32, #tpu.memory_space<vmem>>) offsets(%dma_start3A_18 : memref<128xi32, #tpu.memory_space<vmem>>) semaphore(%arg11 : memref<!tpu.dma_semaphore, #tpu.memory_space<semaphore_mem>>)
    %dma_start3A_22 = arith.constant 2 : i32
    %dma_start3A_23 = arith.constant 256 : i32
    %dma_start3A_24 = arith.constant 0 : i32
    %dma_start3A_25 = tpu.memref_slice %arg9[%dma_start3A_23, %dma_start3A_24] : memref<512x64xf32, #tpu.memory_space<vmem>> -> memref<128x64xf32, #tpu.memory_space<vmem>>
    %dma_start3A_26 = arith.constant 0 : i32
    %dma_start3A_27 = tpu.memref_slice %arg7[%dma_start3A_22, %dma_start3A_26] : memref<4x128xi32, #tpu.memory_space<vmem>> -> memref<1x128xi32, #tpu.memory_space<vmem>>
    %dma_start3A_28 = tpu.memref_squeeze %dma_start3A_27 : memref<1x128xi32, #tpu.memory_space<vmem>> -> memref<128xi32, #tpu.memory_space<vmem>>
    %dma_start3A_29 = arith.constant 0 : i32
    %dma_start3A_30 = arith.constant 0 : i32
    %dma_start3A_31 = tpu.memref_slice %arg4[%dma_start3A_29, %dma_start3A_30] : memref<190662x64xf32, #tpu.memory_space<hbm>> -> memref<190662x64xf32, #tpu.memory_space<hbm>>
    tpu.enqueue_indirect_dma source(%dma_start3A_31 : memref<190662x64xf32, #tpu.memory_space<hbm>>) target(%dma_start3A_25 : memref<128x64xf32, #tpu.memory_space<vmem>>) offsets(%dma_start3A_28 : memref<128xi32, #tpu.memory_space<vmem>>) semaphore(%arg11 : memref<!tpu.dma_semaphore, #tpu.memory_space<semaphore_mem>>)
    %dma_start3A_32 = arith.constant 3 : i32
    %dma_start3A_33 = arith.constant 384 : i32
    %dma_start3A_34 = arith.constant 0 : i32
    %dma_start3A_35 = tpu.memref_slice %arg9[%dma_start3A_33, %dma_start3A_34] : memref<512x64xf32, #tpu.memory_space<vmem>> -> memref<128x64xf32, #tpu.memory_space<vmem>>
    %dma_start3A_36 = arith.constant 0 : i32
    %dma_start3A_37 = tpu.memref_slice %arg7[%dma_start3A_32, %dma_start3A_36] : memref<4x128xi32, #tpu.memory_space<vmem>> -> memref<1x128xi32, #tpu.memory_space<vmem>>
    %dma_start3A_38 = tpu.memref_squeeze %dma_start3A_37 : memref<1x128xi32, #tpu.memory_space<vmem>> -> memref<128xi32, #tpu.memory_space<vmem>>
    %dma_start3A_39 = arith.constant 0 : i32
    %dma_start3A_40 = arith.constant 0 : i32
    %dma_start3A_41 = tpu.memref_slice %arg4[%dma_start3A_39, %dma_start3A_40] : memref<190662x64xf32, #tpu.memory_space<hbm>> -> memref<190662x64xf32, #tpu.memory_space<hbm>>
    tpu.enqueue_indirect_dma source(%dma_start3A_41 : memref<190662x64xf32, #tpu.memory_space<hbm>>) target(%dma_start3A_35 : memref<128x64xf32, #tpu.memory_space<vmem>>) offsets(%dma_start3A_38 : memref<128xi32, #tpu.memory_space<vmem>>) semaphore(%arg11 : memref<!tpu.dma_semaphore, #tpu.memory_space<semaphore_mem>>)
    "tpu.region"() ({
      %run_scoped3A = tpu.sem_alloc : memref<!tpu.dma_semaphore, #tpu.memory_space<semaphore_mem>>
      %dma_start3A_177 = arith.constant 0 : i32
      %dma_start3A_178 = arith.constant 0 : i32
      %dma_start3A_179 = tpu.memref_slice %arg3[%add3A, %dma_start3A_177, %dma_start3A_178] : memref<32x4x128xi32, #tpu.memory_space<hbm>> -> memref<1x4x128xi32, #tpu.memory_space<hbm>>
      %dma_start3A_180 = tpu.memref_squeeze %dma_start3A_179 : memref<1x4x128xi32, #tpu.memory_space<hbm>> -> memref<4x128xi32, #tpu.memory_space<hbm>>
      %dma_start3A_181 = arith.constant 0 : i32
      %dma_start3A_182 = arith.constant 0 : i32
      %dma_start3A_183 = tpu.memref_slice %arg3[%add3A, %dma_start3A_181, %dma_start3A_182] : memref<32x4x128xi32, #tpu.memory_space<hbm>> -> memref<1x4x128xi32, #tpu.memory_space<hbm>>
      %dma_start3A_184 = tpu.memref_squeeze %dma_start3A_183 : memref<1x4x128xi32, #tpu.memory_space<hbm>> -> memref<4x128xi32, #tpu.memory_space<hbm>>
      tpu.enqueue_dma source(%dma_start3A_184 : memref<4x128xi32, #tpu.memory_space<hbm>>) target(%arg8 : memref<4x128xi32, #tpu.memory_space<vmem>>) target_semaphore(%run_scoped3A : memref<!tpu.dma_semaphore, #tpu.memory_space<semaphore_mem>>)
      %dma_wait3A_185 = arith.constant 0 : i32
      %dma_wait3A_186 = arith.constant 0 : i32
      %dma_wait3A_187 = tpu.memref_slice %arg3[%add3A, %dma_wait3A_185, %dma_wait3A_186] : memref<32x4x128xi32, #tpu.memory_space<hbm>> -> memref<1x4x128xi32, #tpu.memory_space<hbm>>
      %dma_wait3A_188 = tpu.memref_squeeze %dma_wait3A_187 : memref<1x4x128xi32, #tpu.memory_space<hbm>> -> memref<4x128xi32, #tpu.memory_space<hbm>>
      %dma_wait3A_189 = arith.constant 0 : i32
      %dma_wait3A_190 = arith.constant 0 : i32
      %dma_wait3A_191 = tpu.memref_slice %arg3[%add3A, %dma_wait3A_189, %dma_wait3A_190] : memref<32x4x128xi32, #tpu.memory_space<hbm>> -> memref<1x4x128xi32, #tpu.memory_space<hbm>>
      %dma_wait3A_192 = tpu.memref_squeeze %dma_wait3A_191 : memref<1x4x128xi32, #tpu.memory_space<hbm>> -> memref<4x128xi32, #tpu.memory_space<hbm>>
      tpu.wait_dma2 semaphore(%run_scoped3A : memref<!tpu.dma_semaphore, #tpu.memory_space<semaphore_mem>>) src(%dma_wait3A_192 : memref<4x128xi32, #tpu.memory_space<hbm>>) dst(%arg8 : memref<4x128xi32, #tpu.memory_space<vmem>>)
      tpu.yield
    }) : () -> ()
    %dma_start3A_42 = arith.constant 0 : i32
    %dma_start3A_43 = arith.constant 0 : i32
    %dma_start3A_44 = arith.constant 0 : i32
    %dma_start3A_45 = tpu.memref_slice %arg10[%dma_start3A_43, %dma_start3A_44] : memref<512x64xf32, #tpu.memory_space<vmem>> -> memref<128x64xf32, #tpu.memory_space<vmem>>
    %dma_start3A_46 = arith.constant 0 : i32
    %dma_start3A_47 = tpu.memref_slice %arg8[%dma_start3A_42, %dma_start3A_46] : memref<4x128xi32, #tpu.memory_space<vmem>> -> memref<1x128xi32, #tpu.memory_space<vmem>>
    %dma_start3A_48 = tpu.memref_squeeze %dma_start3A_47 : memref<1x128xi32, #tpu.memory_space<vmem>> -> memref<128xi32, #tpu.memory_space<vmem>>
    %dma_start3A_49 = arith.constant 0 : i32
    %dma_start3A_50 = arith.constant 0 : i32
    %dma_start3A_51 = tpu.memref_slice %arg5[%dma_start3A_49, %dma_start3A_50] : memref<42800x64xf32, #tpu.memory_space<hbm>> -> memref<42800x64xf32, #tpu.memory_space<hbm>>
    tpu.enqueue_indirect_dma source(%dma_start3A_51 : memref<42800x64xf32, #tpu.memory_space<hbm>>) target(%dma_start3A_45 : memref<128x64xf32, #tpu.memory_space<vmem>>) offsets(%dma_start3A_48 : memref<128xi32, #tpu.memory_space<vmem>>) semaphore(%arg12 : memref<!tpu.dma_semaphore, #tpu.memory_space<semaphore_mem>>)
    %dma_start3A_52 = arith.constant 1 : i32
    %dma_start3A_53 = arith.constant 128 : i32
    %dma_start3A_54 = arith.constant 0 : i32
    %dma_start3A_55 = tpu.memref_slice %arg10[%dma_start3A_53, %dma_start3A_54] : memref<512x64xf32, #tpu.memory_space<vmem>> -> memref<128x64xf32, #tpu.memory_space<vmem>>
    %dma_start3A_56 = arith.constant 0 : i32
    %dma_start3A_57 = tpu.memref_slice %arg8[%dma_start3A_52, %dma_start3A_56] : memref<4x128xi32, #tpu.memory_space<vmem>> -> memref<1x128xi32, #tpu.memory_space<vmem>>
    %dma_start3A_58 = tpu.memref_squeeze %dma_start3A_57 : memref<1x128xi32, #tpu.memory_space<vmem>> -> memref<128xi32, #tpu.memory_space<vmem>>
    %dma_start3A_59 = arith.constant 0 : i32
    %dma_start3A_60 = arith.constant 0 : i32
    %dma_start3A_61 = tpu.memref_slice %arg5[%dma_start3A_59, %dma_start3A_60] : memref<42800x64xf32, #tpu.memory_space<hbm>> -> memref<42800x64xf32, #tpu.memory_space<hbm>>
    tpu.enqueue_indirect_dma source(%dma_start3A_61 : memref<42800x64xf32, #tpu.memory_space<hbm>>) target(%dma_start3A_55 : memref<128x64xf32, #tpu.memory_space<vmem>>) offsets(%dma_start3A_58 : memref<128xi32, #tpu.memory_space<vmem>>) semaphore(%arg12 : memref<!tpu.dma_semaphore, #tpu.memory_space<semaphore_mem>>)
    %dma_start3A_62 = arith.constant 2 : i32
    %dma_start3A_63 = arith.constant 256 : i32
    %dma_start3A_64 = arith.constant 0 : i32
    %dma_start3A_65 = tpu.memref_slice %arg10[%dma_start3A_63, %dma_start3A_64] : memref<512x64xf32, #tpu.memory_space<vmem>> -> memref<128x64xf32, #tpu.memory_space<vmem>>
    %dma_start3A_66 = arith.constant 0 : i32
    %dma_start3A_67 = tpu.memref_slice %arg8[%dma_start3A_62, %dma_start3A_66] : memref<4x128xi32, #tpu.memory_space<vmem>> -> memref<1x128xi32, #tpu.memory_space<vmem>>
    %dma_start3A_68 = tpu.memref_squeeze %dma_start3A_67 : memref<1x128xi32, #tpu.memory_space<vmem>> -> memref<128xi32, #tpu.memory_space<vmem>>
    %dma_start3A_69 = arith.constant 0 : i32
    %dma_start3A_70 = arith.constant 0 : i32
    %dma_start3A_71 = tpu.memref_slice %arg5[%dma_start3A_69, %dma_start3A_70] : memref<42800x64xf32, #tpu.memory_space<hbm>> -> memref<42800x64xf32, #tpu.memory_space<hbm>>
    tpu.enqueue_indirect_dma source(%dma_start3A_71 : memref<42800x64xf32, #tpu.memory_space<hbm>>) target(%dma_start3A_65 : memref<128x64xf32, #tpu.memory_space<vmem>>) offsets(%dma_start3A_68 : memref<128xi32, #tpu.memory_space<vmem>>) semaphore(%arg12 : memref<!tpu.dma_semaphore, #tpu.memory_space<semaphore_mem>>)
    %dma_start3A_72 = arith.constant 3 : i32
    %dma_start3A_73 = arith.constant 384 : i32
    %dma_start3A_74 = arith.constant 0 : i32
    %dma_start3A_75 = tpu.memref_slice %arg10[%dma_start3A_73, %dma_start3A_74] : memref<512x64xf32, #tpu.memory_space<vmem>> -> memref<128x64xf32, #tpu.memory_space<vmem>>
    %dma_start3A_76 = arith.constant 0 : i32
    %dma_start3A_77 = tpu.memref_slice %arg8[%dma_start3A_72, %dma_start3A_76] : memref<4x128xi32, #tpu.memory_space<vmem>> -> memref<1x128xi32, #tpu.memory_space<vmem>>
    %dma_start3A_78 = tpu.memref_squeeze %dma_start3A_77 : memref<1x128xi32, #tpu.memory_space<vmem>> -> memref<128xi32, #tpu.memory_space<vmem>>
    %dma_start3A_79 = arith.constant 0 : i32
    %dma_start3A_80 = arith.constant 0 : i32
    %dma_start3A_81 = tpu.memref_slice %arg5[%dma_start3A_79, %dma_start3A_80] : memref<42800x64xf32, #tpu.memory_space<hbm>> -> memref<42800x64xf32, #tpu.memory_space<hbm>>
    tpu.enqueue_indirect_dma source(%dma_start3A_81 : memref<42800x64xf32, #tpu.memory_space<hbm>>) target(%dma_start3A_75 : memref<128x64xf32, #tpu.memory_space<vmem>>) offsets(%dma_start3A_78 : memref<128xi32, #tpu.memory_space<vmem>>) semaphore(%arg12 : memref<!tpu.dma_semaphore, #tpu.memory_space<semaphore_mem>>)
    %dma_wait3A = arith.constant 0 : i32
    %dma_wait3A_82 = arith.constant 0 : i32
    %dma_wait3A_83 = arith.constant 0 : i32
    %dma_wait3A_84 = tpu.memref_slice %arg9[%dma_wait3A_82, %dma_wait3A_83] : memref<512x64xf32, #tpu.memory_space<vmem>> -> memref<128x64xf32, #tpu.memory_space<vmem>>
    %dma_wait3A_85 = arith.constant 0 : i32
    %dma_wait3A_86 = tpu.memref_slice %arg7[%dma_wait3A, %dma_wait3A_85] : memref<4x128xi32, #tpu.memory_space<vmem>> -> memref<1x128xi32, #tpu.memory_space<vmem>>
    %dma_wait3A_87 = tpu.memref_squeeze %dma_wait3A_86 : memref<1x128xi32, #tpu.memory_space<vmem>> -> memref<128xi32, #tpu.memory_space<vmem>>
    %dma_wait3A_88 = arith.constant 0 : i32
    %dma_wait3A_89 = arith.constant 0 : i32
    %dma_wait3A_90 = tpu.memref_slice %arg4[%dma_wait3A_88, %dma_wait3A_89] : memref<190662x64xf32, #tpu.memory_space<hbm>> -> memref<190662x64xf32, #tpu.memory_space<hbm>>
    tpu.wait_indirect_dma semaphore(%arg11 : memref<!tpu.dma_semaphore, #tpu.memory_space<semaphore_mem>>) src(%dma_wait3A_90 : memref<190662x64xf32, #tpu.memory_space<hbm>>) dst(%dma_wait3A_84 : memref<128x64xf32, #tpu.memory_space<vmem>>)
    %dma_wait3A_91 = arith.constant 1 : i32
    %dma_wait3A_92 = arith.constant 128 : i32
    %dma_wait3A_93 = arith.constant 0 : i32
    %dma_wait3A_94 = tpu.memref_slice %arg9[%dma_wait3A_92, %dma_wait3A_93] : memref<512x64xf32, #tpu.memory_space<vmem>> -> memref<128x64xf32, #tpu.memory_space<vmem>>
    %dma_wait3A_95 = arith.constant 0 : i32
    %dma_wait3A_96 = tpu.memref_slice %arg7[%dma_wait3A_91, %dma_wait3A_95] : memref<4x128xi32, #tpu.memory_space<vmem>> -> memref<1x128xi32, #tpu.memory_space<vmem>>
    %dma_wait3A_97 = tpu.memref_squeeze %dma_wait3A_96 : memref<1x128xi32, #tpu.memory_space<vmem>> -> memref<128xi32, #tpu.memory_space<vmem>>
    %dma_wait3A_98 = arith.constant 0 : i32
    %dma_wait3A_99 = arith.constant 0 : i32
    %dma_wait3A_100 = tpu.memref_slice %arg4[%dma_wait3A_98, %dma_wait3A_99] : memref<190662x64xf32, #tpu.memory_space<hbm>> -> memref<190662x64xf32, #tpu.memory_space<hbm>>
    tpu.wait_indirect_dma semaphore(%arg11 : memref<!tpu.dma_semaphore, #tpu.memory_space<semaphore_mem>>) src(%dma_wait3A_100 : memref<190662x64xf32, #tpu.memory_space<hbm>>) dst(%dma_wait3A_94 : memref<128x64xf32, #tpu.memory_space<vmem>>)
    %dma_wait3A_101 = arith.constant 2 : i32
    %dma_wait3A_102 = arith.constant 256 : i32
    %dma_wait3A_103 = arith.constant 0 : i32
    %dma_wait3A_104 = tpu.memref_slice %arg9[%dma_wait3A_102, %dma_wait3A_103] : memref<512x64xf32, #tpu.memory_space<vmem>> -> memref<128x64xf32, #tpu.memory_space<vmem>>
    %dma_wait3A_105 = arith.constant 0 : i32
    %dma_wait3A_106 = tpu.memref_slice %arg7[%dma_wait3A_101, %dma_wait3A_105] : memref<4x128xi32, #tpu.memory_space<vmem>> -> memref<1x128xi32, #tpu.memory_space<vmem>>
    %dma_wait3A_107 = tpu.memref_squeeze %dma_wait3A_106 : memref<1x128xi32, #tpu.memory_space<vmem>> -> memref<128xi32, #tpu.memory_space<vmem>>
    %dma_wait3A_108 = arith.constant 0 : i32
    %dma_wait3A_109 = arith.constant 0 : i32
    %dma_wait3A_110 = tpu.memref_slice %arg4[%dma_wait3A_108, %dma_wait3A_109] : memref<190662x64xf32, #tpu.memory_space<hbm>> -> memref<190662x64xf32, #tpu.memory_space<hbm>>
    tpu.wait_indirect_dma semaphore(%arg11 : memref<!tpu.dma_semaphore, #tpu.memory_space<semaphore_mem>>) src(%dma_wait3A_110 : memref<190662x64xf32, #tpu.memory_space<hbm>>) dst(%dma_wait3A_104 : memref<128x64xf32, #tpu.memory_space<vmem>>)
    %dma_wait3A_111 = arith.constant 3 : i32
    %dma_wait3A_112 = arith.constant 384 : i32
    %dma_wait3A_113 = arith.constant 0 : i32
    %dma_wait3A_114 = tpu.memref_slice %arg9[%dma_wait3A_112, %dma_wait3A_113] : memref<512x64xf32, #tpu.memory_space<vmem>> -> memref<128x64xf32, #tpu.memory_space<vmem>>
    %dma_wait3A_115 = arith.constant 0 : i32
    %dma_wait3A_116 = tpu.memref_slice %arg7[%dma_wait3A_111, %dma_wait3A_115] : memref<4x128xi32, #tpu.memory_space<vmem>> -> memref<1x128xi32, #tpu.memory_space<vmem>>
    %dma_wait3A_117 = tpu.memref_squeeze %dma_wait3A_116 : memref<1x128xi32, #tpu.memory_space<vmem>> -> memref<128xi32, #tpu.memory_space<vmem>>
    %dma_wait3A_118 = arith.constant 0 : i32
    %dma_wait3A_119 = arith.constant 0 : i32
    %dma_wait3A_120 = tpu.memref_slice %arg4[%dma_wait3A_118, %dma_wait3A_119] : memref<190662x64xf32, #tpu.memory_space<hbm>> -> memref<190662x64xf32, #tpu.memory_space<hbm>>
    tpu.wait_indirect_dma semaphore(%arg11 : memref<!tpu.dma_semaphore, #tpu.memory_space<semaphore_mem>>) src(%dma_wait3A_120 : memref<190662x64xf32, #tpu.memory_space<hbm>>) dst(%dma_wait3A_114 : memref<128x64xf32, #tpu.memory_space<vmem>>)
    %dma_start3A_121 = arith.constant 0 : i32
    %dma_start3A_122 = tpu.memref_slice %arg6[%mul3A_2, %dma_start3A_121] : memref<16384x128xf32, #tpu.memory_space<hbm>> -> memref<512x64xf32, #tpu.memory_space<hbm>>
    %dma_start3A_123 = arith.constant 0 : i32
    %dma_start3A_124 = tpu.memref_slice %arg6[%mul3A_2, %dma_start3A_123] : memref<16384x128xf32, #tpu.memory_space<hbm>> -> memref<512x64xf32, #tpu.memory_space<hbm>>
    tpu.enqueue_dma source(%arg9 : memref<512x64xf32, #tpu.memory_space<vmem>>) target(%dma_start3A_124 : memref<512x64xf32, #tpu.memory_space<hbm>>) target_semaphore(%arg13 : memref<!tpu.dma_semaphore, #tpu.memory_space<semaphore_mem>>)
    %dma_wait3A_125 = arith.constant 0 : i32
    %dma_wait3A_126 = arith.constant 0 : i32
    %dma_wait3A_127 = arith.constant 0 : i32
    %dma_wait3A_128 = tpu.memref_slice %arg10[%dma_wait3A_126, %dma_wait3A_127] : memref<512x64xf32, #tpu.memory_space<vmem>> -> memref<128x64xf32, #tpu.memory_space<vmem>>
    %dma_wait3A_129 = arith.constant 0 : i32
    %dma_wait3A_130 = tpu.memref_slice %arg8[%dma_wait3A_125, %dma_wait3A_129] : memref<4x128xi32, #tpu.memory_space<vmem>> -> memref<1x128xi32, #tpu.memory_space<vmem>>
    %dma_wait3A_131 = tpu.memref_squeeze %dma_wait3A_130 : memref<1x128xi32, #tpu.memory_space<vmem>> -> memref<128xi32, #tpu.memory_space<vmem>>
    %dma_wait3A_132 = arith.constant 0 : i32
    %dma_wait3A_133 = arith.constant 0 : i32
    %dma_wait3A_134 = tpu.memref_slice %arg5[%dma_wait3A_132, %dma_wait3A_133] : memref<42800x64xf32, #tpu.memory_space<hbm>> -> memref<42800x64xf32, #tpu.memory_space<hbm>>
    tpu.wait_indirect_dma semaphore(%arg12 : memref<!tpu.dma_semaphore, #tpu.memory_space<semaphore_mem>>) src(%dma_wait3A_134 : memref<42800x64xf32, #tpu.memory_space<hbm>>) dst(%dma_wait3A_128 : memref<128x64xf32, #tpu.memory_space<vmem>>)
    %dma_wait3A_135 = arith.constant 1 : i32
    %dma_wait3A_136 = arith.constant 128 : i32
    %dma_wait3A_137 = arith.constant 0 : i32
    %dma_wait3A_138 = tpu.memref_slice %arg10[%dma_wait3A_136, %dma_wait3A_137] : memref<512x64xf32, #tpu.memory_space<vmem>> -> memref<128x64xf32, #tpu.memory_space<vmem>>
    %dma_wait3A_139 = arith.constant 0 : i32
    %dma_wait3A_140 = tpu.memref_slice %arg8[%dma_wait3A_135, %dma_wait3A_139] : memref<4x128xi32, #tpu.memory_space<vmem>> -> memref<1x128xi32, #tpu.memory_space<vmem>>
    %dma_wait3A_141 = tpu.memref_squeeze %dma_wait3A_140 : memref<1x128xi32, #tpu.memory_space<vmem>> -> memref<128xi32, #tpu.memory_space<vmem>>
    %dma_wait3A_142 = arith.constant 0 : i32
    %dma_wait3A_143 = arith.constant 0 : i32
    %dma_wait3A_144 = tpu.memref_slice %arg5[%dma_wait3A_142, %dma_wait3A_143] : memref<42800x64xf32, #tpu.memory_space<hbm>> -> memref<42800x64xf32, #tpu.memory_space<hbm>>
    tpu.wait_indirect_dma semaphore(%arg12 : memref<!tpu.dma_semaphore, #tpu.memory_space<semaphore_mem>>) src(%dma_wait3A_144 : memref<42800x64xf32, #tpu.memory_space<hbm>>) dst(%dma_wait3A_138 : memref<128x64xf32, #tpu.memory_space<vmem>>)
    %dma_wait3A_145 = arith.constant 2 : i32
    %dma_wait3A_146 = arith.constant 256 : i32
    %dma_wait3A_147 = arith.constant 0 : i32
    %dma_wait3A_148 = tpu.memref_slice %arg10[%dma_wait3A_146, %dma_wait3A_147] : memref<512x64xf32, #tpu.memory_space<vmem>> -> memref<128x64xf32, #tpu.memory_space<vmem>>
    %dma_wait3A_149 = arith.constant 0 : i32
    %dma_wait3A_150 = tpu.memref_slice %arg8[%dma_wait3A_145, %dma_wait3A_149] : memref<4x128xi32, #tpu.memory_space<vmem>> -> memref<1x128xi32, #tpu.memory_space<vmem>>
    %dma_wait3A_151 = tpu.memref_squeeze %dma_wait3A_150 : memref<1x128xi32, #tpu.memory_space<vmem>> -> memref<128xi32, #tpu.memory_space<vmem>>
    %dma_wait3A_152 = arith.constant 0 : i32
    %dma_wait3A_153 = arith.constant 0 : i32
    %dma_wait3A_154 = tpu.memref_slice %arg5[%dma_wait3A_152, %dma_wait3A_153] : memref<42800x64xf32, #tpu.memory_space<hbm>> -> memref<42800x64xf32, #tpu.memory_space<hbm>>
    tpu.wait_indirect_dma semaphore(%arg12 : memref<!tpu.dma_semaphore, #tpu.memory_space<semaphore_mem>>) src(%dma_wait3A_154 : memref<42800x64xf32, #tpu.memory_space<hbm>>) dst(%dma_wait3A_148 : memref<128x64xf32, #tpu.memory_space<vmem>>)
    %dma_wait3A_155 = arith.constant 3 : i32
    %dma_wait3A_156 = arith.constant 384 : i32
    %dma_wait3A_157 = arith.constant 0 : i32
    %dma_wait3A_158 = tpu.memref_slice %arg10[%dma_wait3A_156, %dma_wait3A_157] : memref<512x64xf32, #tpu.memory_space<vmem>> -> memref<128x64xf32, #tpu.memory_space<vmem>>
    %dma_wait3A_159 = arith.constant 0 : i32
    %dma_wait3A_160 = tpu.memref_slice %arg8[%dma_wait3A_155, %dma_wait3A_159] : memref<4x128xi32, #tpu.memory_space<vmem>> -> memref<1x128xi32, #tpu.memory_space<vmem>>
    %dma_wait3A_161 = tpu.memref_squeeze %dma_wait3A_160 : memref<1x128xi32, #tpu.memory_space<vmem>> -> memref<128xi32, #tpu.memory_space<vmem>>
    %dma_wait3A_162 = arith.constant 0 : i32
    %dma_wait3A_163 = arith.constant 0 : i32
    %dma_wait3A_164 = tpu.memref_slice %arg5[%dma_wait3A_162, %dma_wait3A_163] : memref<42800x64xf32, #tpu.memory_space<hbm>> -> memref<42800x64xf32, #tpu.memory_space<hbm>>
    tpu.wait_indirect_dma semaphore(%arg12 : memref<!tpu.dma_semaphore, #tpu.memory_space<semaphore_mem>>) src(%dma_wait3A_164 : memref<42800x64xf32, #tpu.memory_space<hbm>>) dst(%dma_wait3A_158 : memref<128x64xf32, #tpu.memory_space<vmem>>)
    %dma_start3A_165 = arith.constant 64 : i32
    %dma_start3A_166 = tpu.memref_slice %arg6[%mul3A_2, %dma_start3A_165] : memref<16384x128xf32, #tpu.memory_space<hbm>> -> memref<512x64xf32, #tpu.memory_space<hbm>>
    %dma_start3A_167 = arith.constant 64 : i32
    %dma_start3A_168 = tpu.memref_slice %arg6[%mul3A_2, %dma_start3A_167] : memref<16384x128xf32, #tpu.memory_space<hbm>> -> memref<512x64xf32, #tpu.memory_space<hbm>>
    tpu.enqueue_dma source(%arg10 : memref<512x64xf32, #tpu.memory_space<vmem>>) target(%dma_start3A_168 : memref<512x64xf32, #tpu.memory_space<hbm>>) target_semaphore(%arg14 : memref<!tpu.dma_semaphore, #tpu.memory_space<semaphore_mem>>)
    %dma_wait3A_169 = arith.constant 0 : i32
    %dma_wait3A_170 = tpu.memref_slice %arg6[%mul3A_2, %dma_wait3A_169] : memref<16384x128xf32, #tpu.memory_space<hbm>> -> memref<512x64xf32, #tpu.memory_space<hbm>>
    %dma_wait3A_171 = arith.constant 0 : i32
    %dma_wait3A_172 = tpu.memref_slice %arg6[%mul3A_2, %dma_wait3A_171] : memref<16384x128xf32, #tpu.memory_space<hbm>> -> memref<512x64xf32, #tpu.memory_space<hbm>>
    tpu.wait_dma2 semaphore(%arg13 : memref<!tpu.dma_semaphore, #tpu.memory_space<semaphore_mem>>) src(%arg9 : memref<512x64xf32, #tpu.memory_space<vmem>>) dst(%dma_wait3A_172 : memref<512x64xf32, #tpu.memory_space<hbm>>)
    %dma_wait3A_173 = arith.constant 64 : i32
    %dma_wait3A_174 = tpu.memref_slice %arg6[%mul3A_2, %dma_wait3A_173] : memref<16384x128xf32, #tpu.memory_space<hbm>> -> memref<512x64xf32, #tpu.memory_space<hbm>>
    %dma_wait3A_175 = arith.constant 64 : i32
    %dma_wait3A_176 = tpu.memref_slice %arg6[%mul3A_2, %dma_wait3A_175] : memref<16384x128xf32, #tpu.memory_space<hbm>> -> memref<512x64xf32, #tpu.memory_space<hbm>>
    tpu.wait_dma2 semaphore(%arg14 : memref<!tpu.dma_semaphore, #tpu.memory_space<semaphore_mem>>) src(%arg10 : memref<512x64xf32, #tpu.memory_space<vmem>>) dst(%dma_wait3A_176 : memref<512x64xf32, #tpu.memory_space<hbm>>)
    return
  }
}

module attributes {stable_mosaic.version = 14 : i64} {
  func.func @body(%arg0: i32, %arg1: memref<4096x128xf32, #tpu.memory_space<vmem>>, %arg2: memref<4096x100xf32, #tpu.memory_space<vmem>>, %arg3: memref<4096x128xf32, #tpu.memory_space<vmem>>, %arg4: memref<1x128xf32, #tpu.memory_space<vmem>>, %arg5: memref<1x128xf32, #tpu.memory_space<vmem>>, %arg6: memref<1x100xf32, #tpu.memory_space<vmem>>, %arg7: memref<1x100xf32, #tpu.memory_space<vmem>>, %arg8: memref<1x128xf32, #tpu.memory_space<vmem>>, %arg9: memref<1x128xf32, #tpu.memory_space<vmem>>) attributes {dimension_semantics = [#tpu.dimension_semantics<arbitrary>], iteration_bounds = array<i64: 4>, scalar_prefetch = 0 : i64, scratch_operands = 0 : i64, tpu.core_type = #tpu.core_type<tc>, window_params = [{transform_indices = @transform_0, window_bounds = array<i64: 4096, 128>}, {transform_indices = @transform_1, window_bounds = array<i64: 4096, 100>}, {transform_indices = @transform_2, window_bounds = array<i64: 4096, 128>}, {pipeline_mode = #tpu.pipeline_mode<synchronous>, transform_indices = @transform_3, window_bounds = array<i64: 1, 128>}, {pipeline_mode = #tpu.pipeline_mode<synchronous>, transform_indices = @transform_4, window_bounds = array<i64: 1, 128>}, {pipeline_mode = #tpu.pipeline_mode<synchronous>, transform_indices = @transform_5, window_bounds = array<i64: 1, 100>}, {pipeline_mode = #tpu.pipeline_mode<synchronous>, transform_indices = @transform_6, window_bounds = array<i64: 1, 100>}, {pipeline_mode = #tpu.pipeline_mode<synchronous>, transform_indices = @transform_7, window_bounds = array<i64: 1, 128>}, {pipeline_mode = #tpu.pipeline_mode<synchronous>, transform_indices = @transform_8, window_bounds = array<i64: 1, 128>}]} {
    %eq3A = arith.constant 0 : i32
    %eq3A_0 = arith.cmpi eq, %arg0, %eq3A : i32
    %convert_element_type3A = arith.extui %eq3A_0 : i1 to i32
    %cond3A = arith.constant 0 : i32
    %cond3A_1 = arith.cmpi ne, %convert_element_type3A, %cond3A : i32
    scf.if %cond3A_1 {
      %broadcast_in_dim3A_68 = arith.constant 0.000000e+00 : f32
      %broadcast_in_dim3A_69 = vector.broadcast %broadcast_in_dim3A_68 : f32 to vector<1x128xf32>
      %swap3A_70 = arith.constant 0 : index
      %swap3A_71 = arith.constant 0 : index
      %swap3A_72 = vector.load %arg4[%swap3A_70, %swap3A_71] : memref<1x128xf32, #tpu.memory_space<vmem>>, vector<1x128xf32>
      tpu.vector_store %arg4[%swap3A_70, %swap3A_71], %broadcast_in_dim3A_69 {strides = array<i32>} : memref<1x128xf32, #tpu.memory_space<vmem>>, vector<1x128xf32>,
      %broadcast_in_dim3A_73 = arith.constant 0.000000e+00 : f32
      %broadcast_in_dim3A_74 = vector.broadcast %broadcast_in_dim3A_73 : f32 to vector<1x128xf32>
      %swap3A_75 = arith.constant 0 : index
      %swap3A_76 = arith.constant 0 : index
      %swap3A_77 = vector.load %arg5[%swap3A_75, %swap3A_76] : memref<1x128xf32, #tpu.memory_space<vmem>>, vector<1x128xf32>
      tpu.vector_store %arg5[%swap3A_75, %swap3A_76], %broadcast_in_dim3A_74 {strides = array<i32>} : memref<1x128xf32, #tpu.memory_space<vmem>>, vector<1x128xf32>,
      %broadcast_in_dim3A_78 = arith.constant 0.000000e+00 : f32
      %broadcast_in_dim3A_79 = vector.broadcast %broadcast_in_dim3A_78 : f32 to vector<1x100xf32>
      %swap3A_80 = arith.constant 0 : index
      %swap3A_81 = arith.constant 0 : index
      %swap3A_82 = vector.load %arg6[%swap3A_80, %swap3A_81] : memref<1x100xf32, #tpu.memory_space<vmem>>, vector<1x100xf32>
      tpu.vector_store %arg6[%swap3A_80, %swap3A_81], %broadcast_in_dim3A_79 {strides = array<i32>} : memref<1x100xf32, #tpu.memory_space<vmem>>, vector<1x100xf32>,
      %broadcast_in_dim3A_83 = arith.constant 0.000000e+00 : f32
      %broadcast_in_dim3A_84 = vector.broadcast %broadcast_in_dim3A_83 : f32 to vector<1x100xf32>
      %swap3A_85 = arith.constant 0 : index
      %swap3A_86 = arith.constant 0 : index
      %swap3A_87 = vector.load %arg7[%swap3A_85, %swap3A_86] : memref<1x100xf32, #tpu.memory_space<vmem>>, vector<1x100xf32>
      tpu.vector_store %arg7[%swap3A_85, %swap3A_86], %broadcast_in_dim3A_84 {strides = array<i32>} : memref<1x100xf32, #tpu.memory_space<vmem>>, vector<1x100xf32>,
      %broadcast_in_dim3A_88 = arith.constant 0.000000e+00 : f32
      %broadcast_in_dim3A_89 = vector.broadcast %broadcast_in_dim3A_88 : f32 to vector<1x128xf32>
      %swap3A_90 = arith.constant 0 : index
      %swap3A_91 = arith.constant 0 : index
      %swap3A_92 = vector.load %arg8[%swap3A_90, %swap3A_91] : memref<1x128xf32, #tpu.memory_space<vmem>>, vector<1x128xf32>
      tpu.vector_store %arg8[%swap3A_90, %swap3A_91], %broadcast_in_dim3A_89 {strides = array<i32>} : memref<1x128xf32, #tpu.memory_space<vmem>>, vector<1x128xf32>,
      %broadcast_in_dim3A_93 = arith.constant 0.000000e+00 : f32
      %broadcast_in_dim3A_94 = vector.broadcast %broadcast_in_dim3A_93 : f32 to vector<1x128xf32>
      %swap3A_95 = arith.constant 0 : index
      %swap3A_96 = arith.constant 0 : index
      %swap3A_97 = vector.load %arg9[%swap3A_95, %swap3A_96] : memref<1x128xf32, #tpu.memory_space<vmem>>, vector<1x128xf32>
      tpu.vector_store %arg9[%swap3A_95, %swap3A_96], %broadcast_in_dim3A_94 {strides = array<i32>} : memref<1x128xf32, #tpu.memory_space<vmem>>, vector<1x128xf32>,
    } else {
    }
    %get3A = arith.constant 0 : index
    %get3A_2 = arith.constant 0 : index
    %get3A_3 = vector.load %arg1[%get3A, %get3A_2] : memref<4096x128xf32, #tpu.memory_space<vmem>>, vector<4096x128xf32>
    %get3A_4 = arith.constant 0 : index
    %get3A_5 = arith.constant 0 : index
    %get3A_6 = vector.load %arg4[%get3A_4, %get3A_5] : memref<1x128xf32, #tpu.memory_space<vmem>>, vector<1x128xf32>
    %reduce_sum3A = arith.constant dense<0.000000e+00> : vector<128xf32>
    %reduce_sum3A_7 = vector.multi_reduction <add>, %get3A_3, %reduce_sum3A [0] : vector<4096x128xf32> to vector<128xf32>
    %broadcast_in_dim3A = vector.shape_cast %reduce_sum3A_7 : vector<128xf32> to vector<1x128xf32>
    %add3A = arith.addf %get3A_6, %broadcast_in_dim3A : vector<1x128xf32>
    %swap3A = arith.constant 0 : index
    %swap3A_8 = arith.constant 0 : index
    %swap3A_9 = vector.load %arg4[%swap3A, %swap3A_8] : memref<1x128xf32, #tpu.memory_space<vmem>>, vector<1x128xf32>
    tpu.vector_store %arg4[%swap3A, %swap3A_8], %add3A {strides = array<i32>} : memref<1x128xf32, #tpu.memory_space<vmem>>, vector<1x128xf32>,
    %get3A_10 = arith.constant 0 : index
    %get3A_11 = arith.constant 0 : index
    %get3A_12 = vector.load %arg5[%get3A_10, %get3A_11] : memref<1x128xf32, #tpu.memory_space<vmem>>, vector<1x128xf32>
    %mul3A = arith.mulf %get3A_3, %get3A_3 : vector<4096x128xf32>
    %reduce_sum3A_13 = arith.constant dense<0.000000e+00> : vector<128xf32>
    %reduce_sum3A_14 = vector.multi_reduction <add>, %mul3A, %reduce_sum3A_13 [0] : vector<4096x128xf32> to vector<128xf32>
    %broadcast_in_dim3A_15 = vector.shape_cast %reduce_sum3A_14 : vector<128xf32> to vector<1x128xf32>
    %add3A_16 = arith.addf %get3A_12, %broadcast_in_dim3A_15 : vector<1x128xf32>
    %swap3A_17 = arith.constant 0 : index
    %swap3A_18 = arith.constant 0 : index
    %swap3A_19 = vector.load %arg5[%swap3A_17, %swap3A_18] : memref<1x128xf32, #tpu.memory_space<vmem>>, vector<1x128xf32>
    tpu.vector_store %arg5[%swap3A_17, %swap3A_18], %add3A_16 {strides = array<i32>} : memref<1x128xf32, #tpu.memory_space<vmem>>, vector<1x128xf32>,
    %get3A_20 = arith.constant 0 : index
    %get3A_21 = arith.constant 0 : index
    %get3A_22 = vector.load %arg2[%get3A_20, %get3A_21] : memref<4096x100xf32, #tpu.memory_space<vmem>>, vector<4096x100xf32>
    %get3A_23 = arith.constant 0 : index
    %get3A_24 = arith.constant 0 : index
    %get3A_25 = vector.load %arg6[%get3A_23, %get3A_24] : memref<1x100xf32, #tpu.memory_space<vmem>>, vector<1x100xf32>
    %reduce_sum3A_26 = arith.constant dense<0.000000e+00> : vector<100xf32>
    %reduce_sum3A_27 = vector.multi_reduction <add>, %get3A_22, %reduce_sum3A_26 [0] : vector<4096x100xf32> to vector<100xf32>
    %broadcast_in_dim3A_28 = vector.shape_cast %reduce_sum3A_27 : vector<100xf32> to vector<1x100xf32>
    %add3A_29 = arith.addf %get3A_25, %broadcast_in_dim3A_28 : vector<1x100xf32>
    %swap3A_30 = arith.constant 0 : index
    %swap3A_31 = arith.constant 0 : index
    %swap3A_32 = vector.load %arg6[%swap3A_30, %swap3A_31] : memref<1x100xf32, #tpu.memory_space<vmem>>, vector<1x100xf32>
    tpu.vector_store %arg6[%swap3A_30, %swap3A_31], %add3A_29 {strides = array<i32>} : memref<1x100xf32, #tpu.memory_space<vmem>>, vector<1x100xf32>,
    %get3A_33 = arith.constant 0 : index
    %get3A_34 = arith.constant 0 : index
    %get3A_35 = vector.load %arg7[%get3A_33, %get3A_34] : memref<1x100xf32, #tpu.memory_space<vmem>>, vector<1x100xf32>
    %mul3A_36 = arith.mulf %get3A_22, %get3A_22 : vector<4096x100xf32>
    %reduce_sum3A_37 = arith.constant dense<0.000000e+00> : vector<100xf32>
    %reduce_sum3A_38 = vector.multi_reduction <add>, %mul3A_36, %reduce_sum3A_37 [0] : vector<4096x100xf32> to vector<100xf32>
    %broadcast_in_dim3A_39 = vector.shape_cast %reduce_sum3A_38 : vector<100xf32> to vector<1x100xf32>
    %add3A_40 = arith.addf %get3A_35, %broadcast_in_dim3A_39 : vector<1x100xf32>
    %swap3A_41 = arith.constant 0 : index
    %swap3A_42 = arith.constant 0 : index
    %swap3A_43 = vector.load %arg7[%swap3A_41, %swap3A_42] : memref<1x100xf32, #tpu.memory_space<vmem>>, vector<1x100xf32>
    tpu.vector_store %arg7[%swap3A_41, %swap3A_42], %add3A_40 {strides = array<i32>} : memref<1x100xf32, #tpu.memory_space<vmem>>, vector<1x100xf32>,
    %get3A_44 = arith.constant 0 : index
    %get3A_45 = arith.constant 0 : index
    %get3A_46 = vector.load %arg3[%get3A_44, %get3A_45] : memref<4096x128xf32, #tpu.memory_space<vmem>>, vector<4096x128xf32>
    %get3A_47 = arith.constant 0 : index
    %get3A_48 = arith.constant 0 : index
    %get3A_49 = vector.load %arg8[%get3A_47, %get3A_48] : memref<1x128xf32, #tpu.memory_space<vmem>>, vector<1x128xf32>
    %reduce_sum3A_50 = arith.constant dense<0.000000e+00> : vector<128xf32>
    %reduce_sum3A_51 = vector.multi_reduction <add>, %get3A_46, %reduce_sum3A_50 [0] : vector<4096x128xf32> to vector<128xf32>
    %broadcast_in_dim3A_52 = vector.shape_cast %reduce_sum3A_51 : vector<128xf32> to vector<1x128xf32>
    %add3A_53 = arith.addf %get3A_49, %broadcast_in_dim3A_52 : vector<1x128xf32>
    %swap3A_54 = arith.constant 0 : index
    %swap3A_55 = arith.constant 0 : index
    %swap3A_56 = vector.load %arg8[%swap3A_54, %swap3A_55] : memref<1x128xf32, #tpu.memory_space<vmem>>, vector<1x128xf32>
    tpu.vector_store %arg8[%swap3A_54, %swap3A_55], %add3A_53 {strides = array<i32>} : memref<1x128xf32, #tpu.memory_space<vmem>>, vector<1x128xf32>,
    %get3A_57 = arith.constant 0 : index
    %get3A_58 = arith.constant 0 : index
    %get3A_59 = vector.load %arg9[%get3A_57, %get3A_58] : memref<1x128xf32, #tpu.memory_space<vmem>>, vector<1x128xf32>
    %mul3A_60 = arith.mulf %get3A_46, %get3A_46 : vector<4096x128xf32>
    %reduce_sum3A_61 = arith.constant dense<0.000000e+00> : vector<128xf32>
    %reduce_sum3A_62 = vector.multi_reduction <add>, %mul3A_60, %reduce_sum3A_61 [0] : vector<4096x128xf32> to vector<128xf32>
    %broadcast_in_dim3A_63 = vector.shape_cast %reduce_sum3A_62 : vector<128xf32> to vector<1x128xf32>
    %add3A_64 = arith.addf %get3A_59, %broadcast_in_dim3A_63 : vector<1x128xf32>
    %swap3A_65 = arith.constant 0 : index
    %swap3A_66 = arith.constant 0 : index
    %swap3A_67 = vector.load %arg9[%swap3A_65, %swap3A_66] : memref<1x128xf32, #tpu.memory_space<vmem>>, vector<1x128xf32>
    tpu.vector_store %arg9[%swap3A_65, %swap3A_66], %add3A_64 {strides = array<i32>} : memref<1x128xf32, #tpu.memory_space<vmem>>, vector<1x128xf32>,
    return
  }
  func.func @transform_0(%arg0: i32) -> (i32, i32) {
    %c0_i32 = arith.constant 0 : i32
    %c0_i32_0 = arith.constant 0 : i32
    return %arg0, %c0_i32 : i32, i32
  }
  func.func @transform_1(%arg0: i32) -> (i32, i32) {
    %c0_i32 = arith.constant 0 : i32
    %c0_i32_0 = arith.constant 0 : i32
    return %arg0, %c0_i32 : i32, i32
  }
  func.func @transform_2(%arg0: i32) -> (i32, i32) {
    %c0_i32 = arith.constant 0 : i32
    %c0_i32_0 = arith.constant 0 : i32
    return %arg0, %c0_i32 : i32, i32
  }
  func.func @transform_3(%arg0: i32) -> (i32, i32) {
    %c0_i32 = arith.constant 0 : i32
    %c0_i32_0 = arith.constant 0 : i32
    %c0_i32_1 = arith.constant 0 : i32
    return %c0_i32, %c0_i32_0 : i32, i32
  }
  func.func @transform_4(%arg0: i32) -> (i32, i32) {
    %c0_i32 = arith.constant 0 : i32
    %c0_i32_0 = arith.constant 0 : i32
    %c0_i32_1 = arith.constant 0 : i32
    return %c0_i32, %c0_i32_0 : i32, i32
  }
  func.func @transform_5(%arg0: i32) -> (i32, i32) {
    %c0_i32 = arith.constant 0 : i32
    %c0_i32_0 = arith.constant 0 : i32
    %c0_i32_1 = arith.constant 0 : i32
    return %c0_i32, %c0_i32_0 : i32, i32
  }
  func.func @transform_6(%arg0: i32) -> (i32, i32) {
    %c0_i32 = arith.constant 0 : i32
    %c0_i32_0 = arith.constant 0 : i32
    %c0_i32_1 = arith.constant 0 : i32
    return %c0_i32, %c0_i32_0 : i32, i32
  }
  func.func @transform_7(%arg0: i32) -> (i32, i32) {
    %c0_i32 = arith.constant 0 : i32
    %c0_i32_0 = arith.constant 0 : i32
    %c0_i32_1 = arith.constant 0 : i32
    return %c0_i32, %c0_i32_0 : i32, i32
  }
  func.func @transform_8(%arg0: i32) -> (i32, i32) {
    %c0_i32 = arith.constant 0 : i32
    %c0_i32_0 = arith.constant 0 : i32
    %c0_i32_1 = arith.constant 0 : i32
    return %c0_i32, %c0_i32_0 : i32, i32
  }
}

module attributes {stable_mosaic.version = 14 : i64} {
  func.func @body(%arg0: i32, %arg1: memref<4096x128xf32, #tpu.memory_space<vmem>>, %arg2: memref<4x4096xf32, #tpu.memory_space<vmem>>, %arg3: memref<6x64xf32, #tpu.memory_space<vmem>>, %arg4: memref<2x64xf32, #tpu.memory_space<vmem>>, %arg5: memref<417x64xf32, #tpu.memory_space<vmem>>, %arg6: memref<18x64xf32, #tpu.memory_space<vmem>>, %arg7: memref<4096x128xf32, #tpu.memory_space<vmem>>, %arg8: memref<4096x100xf32, #tpu.memory_space<vmem>>, %arg9: memref<4096x128xf32, #tpu.memory_space<vmem>>, %arg10: memref<128x64xf32, #tpu.memory_space<vmem>>, %arg11: memref<1x64xf32, #tpu.memory_space<vmem>>, %arg12: memref<100x64xf32, #tpu.memory_space<vmem>>, %arg13: memref<1x64xf32, #tpu.memory_space<vmem>>, %arg14: memref<128x64xf32, #tpu.memory_space<vmem>>, %arg15: memref<1x64xf32, #tpu.memory_space<vmem>>, %arg16: memref<1x128xf32, #tpu.memory_space<vmem>>, %arg17: memref<1x128xf32, #tpu.memory_space<vmem>>, %arg18: memref<1x100xf32, #tpu.memory_space<vmem>>, %arg19: memref<1x100xf32, #tpu.memory_space<vmem>>, %arg20: memref<1x128xf32, #tpu.memory_space<vmem>>, %arg21: memref<1x128xf32, #tpu.memory_space<vmem>>, %arg22: memref<1x128xf32, #tpu.memory_space<vmem>>, %arg23: memref<1x128xf32, #tpu.memory_space<vmem>>, %arg24: memref<1x100xf32, #tpu.memory_space<vmem>>, %arg25: memref<1x100xf32, #tpu.memory_space<vmem>>, %arg26: memref<1x128xf32, #tpu.memory_space<vmem>>, %arg27: memref<1x128xf32, #tpu.memory_space<vmem>>, %arg28: memref<4096x576xf32, #tpu.memory_space<vmem>>) attributes {dimension_semantics = [#tpu.dimension_semantics<arbitrary>], iteration_bounds = array<i64: 4>, scalar_prefetch = 0 : i64, scratch_operands = 0 : i64, tpu.core_type = #tpu.core_type<tc>, window_params = [{transform_indices = @transform_0, window_bounds = array<i64: 4096, 128>}, {transform_indices = @transform_1, window_bounds = array<i64: 4, 4096>}, {pipeline_mode = #tpu.pipeline_mode<synchronous>, transform_indices = @transform_2, window_bounds = array<i64: 6, 64>}, {pipeline_mode = #tpu.pipeline_mode<synchronous>, transform_indices = @transform_3, window_bounds = array<i64: 2, 64>}, {pipeline_mode = #tpu.pipeline_mode<synchronous>, transform_indices = @transform_4, window_bounds = array<i64: 417, 64>}, {pipeline_mode = #tpu.pipeline_mode<synchronous>, transform_indices = @transform_5, window_bounds = array<i64: 18, 64>}, {transform_indices = @transform_6, window_bounds = array<i64: 4096, 128>}, {transform_indices = @transform_7, window_bounds = array<i64: 4096, 100>}, {transform_indices = @transform_8, window_bounds = array<i64: 4096, 128>}, {pipeline_mode = #tpu.pipeline_mode<synchronous>, transform_indices = @transform_9, window_bounds = array<i64: 128, 64>}, {pipeline_mode = #tpu.pipeline_mode<synchronous>, transform_indices = @transform_10, window_bounds = array<i64: 1, 64>}, {pipeline_mode = #tpu.pipeline_mode<synchronous>, transform_indices = @transform_11, window_bounds = array<i64: 100, 64>}, {pipeline_mode = #tpu.pipeline_mode<synchronous>, transform_indices = @transform_12, window_bounds = array<i64: 1, 64>}, {pipeline_mode = #tpu.pipeline_mode<synchronous>, transform_indices = @transform_13, window_bounds = array<i64: 128, 64>}, {pipeline_mode = #tpu.pipeline_mode<synchronous>, transform_indices = @transform_14, window_bounds = array<i64: 1, 64>}, {pipeline_mode = #tpu.pipeline_mode<synchronous>, transform_indices = @transform_15, window_bounds = array<i64: 1, 128>}, {pipeline_mode = #tpu.pipeline_mode<synchronous>, transform_indices = @transform_16, window_bounds = array<i64: 1, 128>}, {pipeline_mode = #tpu.pipeline_mode<synchronous>, transform_indices = @transform_17, window_bounds = array<i64: 1, 100>}, {pipeline_mode = #tpu.pipeline_mode<synchronous>, transform_indices = @transform_18, window_bounds = array<i64: 1, 100>}, {pipeline_mode = #tpu.pipeline_mode<synchronous>, transform_indices = @transform_19, window_bounds = array<i64: 1, 128>}, {pipeline_mode = #tpu.pipeline_mode<synchronous>, transform_indices = @transform_20, window_bounds = array<i64: 1, 128>}, {pipeline_mode = #tpu.pipeline_mode<synchronous>, transform_indices = @transform_21, window_bounds = array<i64: 1, 128>}, {pipeline_mode = #tpu.pipeline_mode<synchronous>, transform_indices = @transform_22, window_bounds = array<i64: 1, 128>}, {pipeline_mode = #tpu.pipeline_mode<synchronous>, transform_indices = @transform_23, window_bounds = array<i64: 1, 100>}, {pipeline_mode = #tpu.pipeline_mode<synchronous>, transform_indices = @transform_24, window_bounds = array<i64: 1, 100>}, {pipeline_mode = #tpu.pipeline_mode<synchronous>, transform_indices = @transform_25, window_bounds = array<i64: 1, 128>}, {pipeline_mode = #tpu.pipeline_mode<synchronous>, transform_indices = @transform_26, window_bounds = array<i64: 1, 128>}, {transform_indices = @transform_27, window_bounds = array<i64: 4096, 576>}]} {
    %get3A = arith.constant 0 : index
    %get3A_0 = arith.constant 0 : index
    %get3A_1 = vector.load %arg1[%get3A, %get3A_0] : memref<4096x128xf32, #tpu.memory_space<vmem>>, vector<4096x64xf32>
    %swap3A = arith.constant 0 : index
    %swap3A_2 = arith.constant 0 : index
    %swap3A_3 = vector.load %arg28[%swap3A, %swap3A_2] : memref<4096x576xf32, #tpu.memory_space<vmem>>, vector<4096x64xf32>
    tpu.vector_store %arg28[%swap3A, %swap3A_2], %get3A_1 {strides = array<i32>} : memref<4096x576xf32, #tpu.memory_space<vmem>>, vector<4096x64xf32>,
    %iota3A = tpu.iota {dimensions = array<i32: 0>} : vector<6x4096xi32>
    %get3A_4 = arith.constant 0 : index
    %get3A_5 = arith.constant 0 : index
    %get3A_6 = vector.load %arg2[%get3A_4, %get3A_5] : memref<4x4096xf32, #tpu.memory_space<vmem>>, vector<1x4096xf32>
    %convert_element_type3A = arith.sitofp %iota3A : vector<6x4096xi32> to vector<6x4096xf32>
    %eq3A = vector.broadcast %get3A_6 : vector<1x4096xf32> to vector<6x4096xf32>
    %eq3A_7 = arith.cmpf oeq, %eq3A, %convert_element_type3A : vector<6x4096xf32>
    %jit3A = arith.constant 1.000000e+00 : f32
    %jit3A_8 = arith.constant 0.000000e+00 : f32
    %broadcast_in_dim3A = vector.broadcast %jit3A : f32 to vector<6x4096xf32>
    %broadcast_in_dim3A_9 = vector.broadcast %jit3A_8 : f32 to vector<6x4096xf32>
    %select_n3A = arith.select %eq3A_7, %broadcast_in_dim3A, %broadcast_in_dim3A_9 : vector<6x4096xi1>, vector<6x4096xf32>
    %get3A_10 = arith.constant 0 : index
    %get3A_11 = arith.constant 0 : index
    %get3A_12 = vector.load %arg3[%get3A_10, %get3A_11] : memref<6x64xf32, #tpu.memory_space<vmem>>, vector<6x64xf32>
    "tpu.trace_start"() <{level = 10 : i32, message = "kb,kh->bh"}> : () -> ()
    %dot_general3A = arith.constant dense<0.000000e+00> : vector<4096x64xf32>
    %dot_general3A_13 = tpu.matmul %select_n3A, %get3A_12, %dot_general3A {dimension_numbers = #tpu.dot_dimension_numbers<[0], [0], [1], [1], [0, 1, 1, 1], [], []>, transpose_lhs_hint = true} : vector<6x4096xf32>, vector<6x64xf32>, vector<4096x64xf32> -> vector<4096x64xf32>
    "tpu.trace_stop"() : () -> ()
    %swap3A_14 = arith.constant 0 : index
    %swap3A_15 = arith.constant 64 : index
    %swap3A_16 = vector.load %arg28[%swap3A_14, %swap3A_15] : memref<4096x576xf32, #tpu.memory_space<vmem>>, vector<4096x64xf32>
    tpu.vector_store %arg28[%swap3A_14, %swap3A_15], %dot_general3A_13 {strides = array<i32>} : memref<4096x576xf32, #tpu.memory_space<vmem>>, vector<4096x64xf32>,
    %iota3A_17 = tpu.iota {dimensions = array<i32: 0>} : vector<2x4096xi32>
    %get3A_18 = arith.constant 1 : index
    %get3A_19 = arith.constant 0 : index
    %get3A_20 = vector.load %arg2[%get3A_18, %get3A_19] : memref<4x4096xf32, #tpu.memory_space<vmem>>, vector<1x4096xf32>
    %convert_element_type3A_21 = arith.sitofp %iota3A_17 : vector<2x4096xi32> to vector<2x4096xf32>
    %eq3A_22 = vector.broadcast %get3A_20 : vector<1x4096xf32> to vector<2x4096xf32>
    %eq3A_23 = arith.cmpf oeq, %eq3A_22, %convert_element_type3A_21 : vector<2x4096xf32>
    %jit3A_24 = arith.constant 1.000000e+00 : f32
    %jit3A_25 = arith.constant 0.000000e+00 : f32
    %broadcast_in_dim3A_26 = vector.broadcast %jit3A_24 : f32 to vector<2x4096xf32>
    %broadcast_in_dim3A_27 = vector.broadcast %jit3A_25 : f32 to vector<2x4096xf32>
    %select_n3A_28 = arith.select %eq3A_23, %broadcast_in_dim3A_26, %broadcast_in_dim3A_27 : vector<2x4096xi1>, vector<2x4096xf32>
    %get3A_29 = arith.constant 0 : index
    %get3A_30 = arith.constant 0 : index
    %get3A_31 = vector.load %arg4[%get3A_29, %get3A_30] : memref<2x64xf32, #tpu.memory_space<vmem>>, vector<2x64xf32>
    "tpu.trace_start"() <{level = 10 : i32, message = "kb,kh->bh"}> : () -> ()
    %dot_general3A_32 = arith.constant dense<0.000000e+00> : vector<4096x64xf32>
    %dot_general3A_33 = tpu.matmul %select_n3A_28, %get3A_31, %dot_general3A_32 {dimension_numbers = #tpu.dot_dimension_numbers<[0], [0], [1], [1], [0, 1, 1, 1], [], []>, transpose_lhs_hint = true} : vector<2x4096xf32>, vector<2x64xf32>, vector<4096x64xf32> -> vector<4096x64xf32>
    "tpu.trace_stop"() : () -> ()
    %swap3A_34 = arith.constant 0 : index
    %swap3A_35 = arith.constant 128 : index
    %swap3A_36 = vector.load %arg28[%swap3A_34, %swap3A_35] : memref<4096x576xf32, #tpu.memory_space<vmem>>, vector<4096x64xf32>
    tpu.vector_store %arg28[%swap3A_34, %swap3A_35], %dot_general3A_33 {strides = array<i32>} : memref<4096x576xf32, #tpu.memory_space<vmem>>, vector<4096x64xf32>,
    %get3A_37 = arith.constant 0 : index
    %get3A_38 = arith.constant 0 : index
    %get3A_39 = vector.load %arg22[%get3A_37, %get3A_38] : memref<1x128xf32, #tpu.memory_space<vmem>>, vector<1x128xf32>
    %mul3A = arith.constant 6.10351563E-5 : f32
    %mul3A_40 = vector.broadcast %mul3A : f32 to vector<1x128xf32>
    %mul3A_41 = arith.mulf %get3A_39, %mul3A_40 : vector<1x128xf32>
    %get3A_42 = arith.constant 0 : index
    %get3A_43 = arith.constant 0 : index
    %get3A_44 = vector.load %arg23[%get3A_42, %get3A_43] : memref<1x128xf32, #tpu.memory_space<vmem>>, vector<1x128xf32>
    %mul3A_45 = arith.constant 6.10351563E-5 : f32
    %mul3A_46 = vector.broadcast %mul3A_45 : f32 to vector<1x128xf32>
    %mul3A_47 = arith.mulf %get3A_44, %mul3A_46 : vector<1x128xf32>
    %mul3A_48 = arith.mulf %mul3A_41, %mul3A_41 : vector<1x128xf32>
    %sub3A = arith.subf %mul3A_47, %mul3A_48 : vector<1x128xf32>
    %get3A_49 = arith.constant 0 : index
    %get3A_50 = arith.constant 0 : index
    %get3A_51 = vector.load %arg16[%get3A_49, %get3A_50] : memref<1x128xf32, #tpu.memory_space<vmem>>, vector<1x128xf32>
    %add3A = arith.constant 9.99999974E-6 : f32
    %add3A_52 = vector.broadcast %add3A : f32 to vector<1x128xf32>
    %add3A_53 = arith.addf %sub3A, %add3A_52 : vector<1x128xf32>
    %sqrt3A = math.sqrt %add3A_53 : vector<1x128xf32>
    %div3A = arith.divf %get3A_51, %sqrt3A : vector<1x128xf32>
    %get3A_54 = arith.constant 0 : index
    %get3A_55 = arith.constant 0 : index
    %get3A_56 = vector.load %arg17[%get3A_54, %get3A_55] : memref<1x128xf32, #tpu.memory_space<vmem>>, vector<1x128xf32>
    %mul3A_57 = arith.mulf %mul3A_41, %div3A : vector<1x128xf32>
    %sub3A_58 = arith.subf %get3A_56, %mul3A_57 : vector<1x128xf32>
    %get3A_59 = arith.constant 0 : index
    %get3A_60 = arith.constant 0 : index
    %get3A_61 = vector.load %arg7[%get3A_59, %get3A_60] : memref<4096x128xf32, #tpu.memory_space<vmem>>, vector<4096x128xf32>
    %mul3A_62 = vector.broadcast %div3A : vector<1x128xf32> to vector<4096x128xf32>
    %mul3A_63 = arith.mulf %get3A_61, %mul3A_62 : vector<4096x128xf32>
    %add3A_64 = vector.broadcast %sub3A_58 : vector<1x128xf32> to vector<4096x128xf32>
    %add3A_65 = arith.addf %mul3A_63, %add3A_64 : vector<4096x128xf32>
    %get3A_66 = arith.constant 0 : index
    %get3A_67 = arith.constant 0 : index
    %get3A_68 = vector.load %arg10[%get3A_66, %get3A_67] : memref<128x64xf32, #tpu.memory_space<vmem>>, vector<128x64xf32>
    %dot_general3A_69 = arith.constant dense<0.000000e+00> : vector<4096x64xf32>
    %dot_general3A_70 = tpu.matmul %add3A_65, %get3A_68, %dot_general3A_69 {dimension_numbers = #tpu.dot_dimension_numbers<[1], [0], [0], [1], [0, 0, 1, 1], [], []>, transpose_lhs_hint = false} : vector<4096x128xf32>, vector<128x64xf32>, vector<4096x64xf32> -> vector<4096x64xf32>
    %get3A_71 = arith.constant 0 : index
    %get3A_72 = arith.constant 0 : index
    %get3A_73 = vector.load %arg11[%get3A_71, %get3A_72] : memref<1x64xf32, #tpu.memory_space<vmem>>, vector<1x64xf32>
    %add3A_74 = vector.broadcast %get3A_73 : vector<1x64xf32> to vector<4096x64xf32>
    %add3A_75 = arith.addf %dot_general3A_70, %add3A_74 : vector<4096x64xf32>
    %swap3A_76 = arith.constant 0 : index
    %swap3A_77 = arith.constant 192 : index
    %swap3A_78 = vector.load %arg28[%swap3A_76, %swap3A_77] : memref<4096x576xf32, #tpu.memory_space<vmem>>, vector<4096x64xf32>
    tpu.vector_store %arg28[%swap3A_76, %swap3A_77], %add3A_75 {strides = array<i32>} : memref<4096x576xf32, #tpu.memory_space<vmem>>, vector<4096x64xf32>,
    %get3A_79 = arith.constant 0 : index
    %get3A_80 = arith.constant 0 : index
    %get3A_81 = vector.load %arg24[%get3A_79, %get3A_80] : memref<1x100xf32, #tpu.memory_space<vmem>>, vector<1x100xf32>
    %mul3A_82 = arith.constant 6.10351563E-5 : f32
    %mul3A_83 = vector.broadcast %mul3A_82 : f32 to vector<1x100xf32>
    %mul3A_84 = arith.mulf %get3A_81, %mul3A_83 : vector<1x100xf32>
    %get3A_85 = arith.constant 0 : index
    %get3A_86 = arith.constant 0 : index
    %get3A_87 = vector.load %arg25[%get3A_85, %get3A_86] : memref<1x100xf32, #tpu.memory_space<vmem>>, vector<1x100xf32>
    %mul3A_88 = arith.constant 6.10351563E-5 : f32
    %mul3A_89 = vector.broadcast %mul3A_88 : f32 to vector<1x100xf32>
    %mul3A_90 = arith.mulf %get3A_87, %mul3A_89 : vector<1x100xf32>
    %mul3A_91 = arith.mulf %mul3A_84, %mul3A_84 : vector<1x100xf32>
    %sub3A_92 = arith.subf %mul3A_90, %mul3A_91 : vector<1x100xf32>
    %get3A_93 = arith.constant 0 : index
    %get3A_94 = arith.constant 0 : index
    %get3A_95 = vector.load %arg18[%get3A_93, %get3A_94] : memref<1x100xf32, #tpu.memory_space<vmem>>, vector<1x100xf32>
    %add3A_96 = arith.constant 9.99999974E-6 : f32
    %add3A_97 = vector.broadcast %add3A_96 : f32 to vector<1x100xf32>
    %add3A_98 = arith.addf %sub3A_92, %add3A_97 : vector<1x100xf32>
    %sqrt3A_99 = math.sqrt %add3A_98 : vector<1x100xf32>
    %div3A_100 = arith.divf %get3A_95, %sqrt3A_99 : vector<1x100xf32>
    %get3A_101 = arith.constant 0 : index
    %get3A_102 = arith.constant 0 : index
    %get3A_103 = vector.load %arg19[%get3A_101, %get3A_102] : memref<1x100xf32, #tpu.memory_space<vmem>>, vector<1x100xf32>
    %mul3A_104 = arith.mulf %mul3A_84, %div3A_100 : vector<1x100xf32>
    %sub3A_105 = arith.subf %get3A_103, %mul3A_104 : vector<1x100xf32>
    %get3A_106 = arith.constant 0 : index
    %get3A_107 = arith.constant 0 : index
    %get3A_108 = vector.load %arg8[%get3A_106, %get3A_107] : memref<4096x100xf32, #tpu.memory_space<vmem>>, vector<4096x100xf32>
    %mul3A_109 = vector.broadcast %div3A_100 : vector<1x100xf32> to vector<4096x100xf32>
    %mul3A_110 = arith.mulf %get3A_108, %mul3A_109 : vector<4096x100xf32>
    %add3A_111 = vector.broadcast %sub3A_105 : vector<1x100xf32> to vector<4096x100xf32>
    %add3A_112 = arith.addf %mul3A_110, %add3A_111 : vector<4096x100xf32>
    %get3A_113 = arith.constant 0 : index
    %get3A_114 = arith.constant 0 : index
    %get3A_115 = vector.load %arg12[%get3A_113, %get3A_114] : memref<100x64xf32, #tpu.memory_space<vmem>>, vector<100x64xf32>
    %dot_general3A_116 = arith.constant dense<0.000000e+00> : vector<4096x64xf32>
    %dot_general3A_117 = tpu.matmul %add3A_112, %get3A_115, %dot_general3A_116 {dimension_numbers = #tpu.dot_dimension_numbers<[1], [0], [0], [1], [0, 0, 1, 1], [], []>, transpose_lhs_hint = false} : vector<4096x100xf32>, vector<100x64xf32>, vector<4096x64xf32> -> vector<4096x64xf32>
    %get3A_118 = arith.constant 0 : index
    %get3A_119 = arith.constant 0 : index
    %get3A_120 = vector.load %arg13[%get3A_118, %get3A_119] : memref<1x64xf32, #tpu.memory_space<vmem>>, vector<1x64xf32>
    %add3A_121 = vector.broadcast %get3A_120 : vector<1x64xf32> to vector<4096x64xf32>
    %add3A_122 = arith.addf %dot_general3A_117, %add3A_121 : vector<4096x64xf32>
    %swap3A_123 = arith.constant 0 : index
    %swap3A_124 = arith.constant 256 : index
    %swap3A_125 = vector.load %arg28[%swap3A_123, %swap3A_124] : memref<4096x576xf32, #tpu.memory_space<vmem>>, vector<4096x64xf32>
    tpu.vector_store %arg28[%swap3A_123, %swap3A_124], %add3A_122 {strides = array<i32>} : memref<4096x576xf32, #tpu.memory_space<vmem>>, vector<4096x64xf32>,
    %get3A_126 = arith.constant 0 : index
    %get3A_127 = arith.constant 0 : index
    %get3A_128 = vector.load %arg26[%get3A_126, %get3A_127] : memref<1x128xf32, #tpu.memory_space<vmem>>, vector<1x128xf32>
    %mul3A_129 = arith.constant 6.10351563E-5 : f32
    %mul3A_130 = vector.broadcast %mul3A_129 : f32 to vector<1x128xf32>
    %mul3A_131 = arith.mulf %get3A_128, %mul3A_130 : vector<1x128xf32>
    %get3A_132 = arith.constant 0 : index
    %get3A_133 = arith.constant 0 : index
    %get3A_134 = vector.load %arg27[%get3A_132, %get3A_133] : memref<1x128xf32, #tpu.memory_space<vmem>>, vector<1x128xf32>
    %mul3A_135 = arith.constant 6.10351563E-5 : f32
    %mul3A_136 = vector.broadcast %mul3A_135 : f32 to vector<1x128xf32>
    %mul3A_137 = arith.mulf %get3A_134, %mul3A_136 : vector<1x128xf32>
    %mul3A_138 = arith.mulf %mul3A_131, %mul3A_131 : vector<1x128xf32>
    %sub3A_139 = arith.subf %mul3A_137, %mul3A_138 : vector<1x128xf32>
    %get3A_140 = arith.constant 0 : index
    %get3A_141 = arith.constant 0 : index
    %get3A_142 = vector.load %arg20[%get3A_140, %get3A_141] : memref<1x128xf32, #tpu.memory_space<vmem>>, vector<1x128xf32>
    %add3A_143 = arith.constant 9.99999974E-6 : f32
    %add3A_144 = vector.broadcast %add3A_143 : f32 to vector<1x128xf32>
    %add3A_145 = arith.addf %sub3A_139, %add3A_144 : vector<1x128xf32>
    %sqrt3A_146 = math.sqrt %add3A_145 : vector<1x128xf32>
    %div3A_147 = arith.divf %get3A_142, %sqrt3A_146 : vector<1x128xf32>
    %get3A_148 = arith.constant 0 : index
    %get3A_149 = arith.constant 0 : index
    %get3A_150 = vector.load %arg21[%get3A_148, %get3A_149] : memref<1x128xf32, #tpu.memory_space<vmem>>, vector<1x128xf32>
    %mul3A_151 = arith.mulf %mul3A_131, %div3A_147 : vector<1x128xf32>
    %sub3A_152 = arith.subf %get3A_150, %mul3A_151 : vector<1x128xf32>
    %get3A_153 = arith.constant 0 : index
    %get3A_154 = arith.constant 0 : index
    %get3A_155 = vector.load %arg9[%get3A_153, %get3A_154] : memref<4096x128xf32, #tpu.memory_space<vmem>>, vector<4096x128xf32>
    %mul3A_156 = vector.broadcast %div3A_147 : vector<1x128xf32> to vector<4096x128xf32>
    %mul3A_157 = arith.mulf %get3A_155, %mul3A_156 : vector<4096x128xf32>
    %add3A_158 = vector.broadcast %sub3A_152 : vector<1x128xf32> to vector<4096x128xf32>
    %add3A_159 = arith.addf %mul3A_157, %add3A_158 : vector<4096x128xf32>
    %get3A_160 = arith.constant 0 : index
    %get3A_161 = arith.constant 0 : index
    %get3A_162 = vector.load %arg14[%get3A_160, %get3A_161] : memref<128x64xf32, #tpu.memory_space<vmem>>, vector<128x64xf32>
    %dot_general3A_163 = arith.constant dense<0.000000e+00> : vector<4096x64xf32>
    %dot_general3A_164 = tpu.matmul %add3A_159, %get3A_162, %dot_general3A_163 {dimension_numbers = #tpu.dot_dimension_numbers<[1], [0], [0], [1], [0, 0, 1, 1], [], []>, transpose_lhs_hint = false} : vector<4096x128xf32>, vector<128x64xf32>, vector<4096x64xf32> -> vector<4096x64xf32>
    %get3A_165 = arith.constant 0 : index
    %get3A_166 = arith.constant 0 : index
    %get3A_167 = vector.load %arg15[%get3A_165, %get3A_166] : memref<1x64xf32, #tpu.memory_space<vmem>>, vector<1x64xf32>
    %add3A_168 = vector.broadcast %get3A_167 : vector<1x64xf32> to vector<4096x64xf32>
    %add3A_169 = arith.addf %dot_general3A_164, %add3A_168 : vector<4096x64xf32>
    %swap3A_170 = arith.constant 0 : index
    %swap3A_171 = arith.constant 320 : index
    %swap3A_172 = vector.load %arg28[%swap3A_170, %swap3A_171] : memref<4096x576xf32, #tpu.memory_space<vmem>>, vector<4096x64xf32>
    tpu.vector_store %arg28[%swap3A_170, %swap3A_171], %add3A_169 {strides = array<i32>} : memref<4096x576xf32, #tpu.memory_space<vmem>>, vector<4096x64xf32>,
    %iota3A_173 = tpu.iota {dimensions = array<i32: 0>} : vector<417x4096xi32>
    %get3A_174 = arith.constant 2 : index
    %get3A_175 = arith.constant 0 : index
    %get3A_176 = vector.load %arg2[%get3A_174, %get3A_175] : memref<4x4096xf32, #tpu.memory_space<vmem>>, vector<1x4096xf32>
    %convert_element_type3A_177 = arith.sitofp %iota3A_173 : vector<417x4096xi32> to vector<417x4096xf32>
    %eq3A_178 = vector.broadcast %get3A_176 : vector<1x4096xf32> to vector<417x4096xf32>
    %eq3A_179 = arith.cmpf oeq, %eq3A_178, %convert_element_type3A_177 : vector<417x4096xf32>
    %jit3A_180 = arith.constant 1.000000e+00 : f32
    %jit3A_181 = arith.constant 0.000000e+00 : f32
    %broadcast_in_dim3A_182 = vector.broadcast %jit3A_180 : f32 to vector<417x4096xf32>
    %broadcast_in_dim3A_183 = vector.broadcast %jit3A_181 : f32 to vector<417x4096xf32>
    %select_n3A_184 = arith.select %eq3A_179, %broadcast_in_dim3A_182, %broadcast_in_dim3A_183 : vector<417x4096xi1>, vector<417x4096xf32>
    %get3A_185 = arith.constant 0 : index
    %get3A_186 = arith.constant 0 : index
    %get3A_187 = vector.load %arg5[%get3A_185, %get3A_186] : memref<417x64xf32, #tpu.memory_space<vmem>>, vector<417x64xf32>
    "tpu.trace_start"() <{level = 10 : i32, message = "kb,kh->bh"}> : () -> ()
    %dot_general3A_188 = arith.constant dense<0.000000e+00> : vector<4096x64xf32>
    %dot_general3A_189 = tpu.matmul %select_n3A_184, %get3A_187, %dot_general3A_188 {dimension_numbers = #tpu.dot_dimension_numbers<[0], [0], [1], [1], [0, 1, 1, 1], [], []>, transpose_lhs_hint = true} : vector<417x4096xf32>, vector<417x64xf32>, vector<4096x64xf32> -> vector<4096x64xf32>
    "tpu.trace_stop"() : () -> ()
    %swap3A_190 = arith.constant 0 : index
    %swap3A_191 = arith.constant 384 : index
    %swap3A_192 = vector.load %arg28[%swap3A_190, %swap3A_191] : memref<4096x576xf32, #tpu.memory_space<vmem>>, vector<4096x64xf32>
    tpu.vector_store %arg28[%swap3A_190, %swap3A_191], %dot_general3A_189 {strides = array<i32>} : memref<4096x576xf32, #tpu.memory_space<vmem>>, vector<4096x64xf32>,
    %iota3A_193 = tpu.iota {dimensions = array<i32: 0>} : vector<18x4096xi32>
    %get3A_194 = arith.constant 3 : index
    %get3A_195 = arith.constant 0 : index
    %get3A_196 = vector.load %arg2[%get3A_194, %get3A_195] : memref<4x4096xf32, #tpu.memory_space<vmem>>, vector<1x4096xf32>
    %convert_element_type3A_197 = arith.sitofp %iota3A_193 : vector<18x4096xi32> to vector<18x4096xf32>
    %eq3A_198 = vector.broadcast %get3A_196 : vector<1x4096xf32> to vector<18x4096xf32>
    %eq3A_199 = arith.cmpf oeq, %eq3A_198, %convert_element_type3A_197 : vector<18x4096xf32>
    %jit3A_200 = arith.constant 1.000000e+00 : f32
    %jit3A_201 = arith.constant 0.000000e+00 : f32
    %broadcast_in_dim3A_202 = vector.broadcast %jit3A_200 : f32 to vector<18x4096xf32>
    %broadcast_in_dim3A_203 = vector.broadcast %jit3A_201 : f32 to vector<18x4096xf32>
    %select_n3A_204 = arith.select %eq3A_199, %broadcast_in_dim3A_202, %broadcast_in_dim3A_203 : vector<18x4096xi1>, vector<18x4096xf32>
    %get3A_205 = arith.constant 0 : index
    %get3A_206 = arith.constant 0 : index
    %get3A_207 = vector.load %arg6[%get3A_205, %get3A_206] : memref<18x64xf32, #tpu.memory_space<vmem>>, vector<18x64xf32>
    "tpu.trace_start"() <{level = 10 : i32, message = "kb,kh->bh"}> : () -> ()
    %dot_general3A_208 = arith.constant dense<0.000000e+00> : vector<4096x64xf32>
    %dot_general3A_209 = tpu.matmul %select_n3A_204, %get3A_207, %dot_general3A_208 {dimension_numbers = #tpu.dot_dimension_numbers<[0], [0], [1], [1], [0, 1, 1, 1], [], []>, transpose_lhs_hint = true} : vector<18x4096xf32>, vector<18x64xf32>, vector<4096x64xf32> -> vector<4096x64xf32>
    "tpu.trace_stop"() : () -> ()
    %swap3A_210 = arith.constant 0 : index
    %swap3A_211 = arith.constant 448 : index
    %swap3A_212 = vector.load %arg28[%swap3A_210, %swap3A_211] : memref<4096x576xf32, #tpu.memory_space<vmem>>, vector<4096x64xf32>
    tpu.vector_store %arg28[%swap3A_210, %swap3A_211], %dot_general3A_209 {strides = array<i32>} : memref<4096x576xf32, #tpu.memory_space<vmem>>, vector<4096x64xf32>,
    %get3A_213 = arith.constant 0 : index
    %get3A_214 = arith.constant 64 : index
    %get3A_215 = vector.load %arg1[%get3A_213, %get3A_214] : memref<4096x128xf32, #tpu.memory_space<vmem>>, vector<4096x64xf32>
    %swap3A_216 = arith.constant 0 : index
    %swap3A_217 = arith.constant 512 : index
    %swap3A_218 = vector.load %arg28[%swap3A_216, %swap3A_217] : memref<4096x576xf32, #tpu.memory_space<vmem>>, vector<4096x64xf32>
    tpu.vector_store %arg28[%swap3A_216, %swap3A_217], %get3A_215 {strides = array<i32>} : memref<4096x576xf32, #tpu.memory_space<vmem>>, vector<4096x64xf32>,
    return
  }
  func.func @transform_0(%arg0: i32) -> (i32, i32) {
    %c0_i32 = arith.constant 0 : i32
    %c0_i32_0 = arith.constant 0 : i32
    return %arg0, %c0_i32 : i32, i32
  }
  func.func @transform_1(%arg0: i32) -> (i32, i32) {
    %c0_i32 = arith.constant 0 : i32
    %c0_i32_0 = arith.constant 0 : i32
    return %c0_i32, %arg0 : i32, i32
  }
  func.func @transform_2(%arg0: i32) -> (i32, i32) {
    %c0_i32 = arith.constant 0 : i32
    %c0_i32_0 = arith.constant 0 : i32
    %c0_i32_1 = arith.constant 0 : i32
    return %c0_i32, %c0_i32_0 : i32, i32
  }
  func.func @transform_3(%arg0: i32) -> (i32, i32) {
    %c0_i32 = arith.constant 0 : i32
    %c0_i32_0 = arith.constant 0 : i32
    %c0_i32_1 = arith.constant 0 : i32
    return %c0_i32, %c0_i32_0 : i32, i32
  }
  func.func @transform_4(%arg0: i32) -> (i32, i32) {
    %c0_i32 = arith.constant 0 : i32
    %c0_i32_0 = arith.constant 0 : i32
    %c0_i32_1 = arith.constant 0 : i32
    return %c0_i32, %c0_i32_0 : i32, i32
  }
  func.func @transform_5(%arg0: i32) -> (i32, i32) {
    %c0_i32 = arith.constant 0 : i32
    %c0_i32_0 = arith.constant 0 : i32
    %c0_i32_1 = arith.constant 0 : i32
    return %c0_i32, %c0_i32_0 : i32, i32
  }
  func.func @transform_6(%arg0: i32) -> (i32, i32) {
    %c0_i32 = arith.constant 0 : i32
    %c0_i32_0 = arith.constant 0 : i32
    return %arg0, %c0_i32 : i32, i32
  }
  func.func @transform_7(%arg0: i32) -> (i32, i32) {
    %c0_i32 = arith.constant 0 : i32
    %c0_i32_0 = arith.constant 0 : i32
    return %arg0, %c0_i32 : i32, i32
  }
  func.func @transform_8(%arg0: i32) -> (i32, i32) {
    %c0_i32 = arith.constant 0 : i32
    %c0_i32_0 = arith.constant 0 : i32
    return %arg0, %c0_i32 : i32, i32
  }
  func.func @transform_9(%arg0: i32) -> (i32, i32) {
    %c0_i32 = arith.constant 0 : i32
    %c0_i32_0 = arith.constant 0 : i32
    %c0_i32_1 = arith.constant 0 : i32
    return %c0_i32, %c0_i32_0 : i32, i32
  }
  func.func @transform_10(%arg0: i32) -> (i32, i32) {
    %c0_i32 = arith.constant 0 : i32
    %c0_i32_0 = arith.constant 0 : i32
    %c0_i32_1 = arith.constant 0 : i32
    return %c0_i32, %c0_i32_0 : i32, i32
  }
  func.func @transform_11(%arg0: i32) -> (i32, i32) {
    %c0_i32 = arith.constant 0 : i32
    %c0_i32_0 = arith.constant 0 : i32
    %c0_i32_1 = arith.constant 0 : i32
    return %c0_i32, %c0_i32_0 : i32, i32
  }
  func.func @transform_12(%arg0: i32) -> (i32, i32) {
    %c0_i32 = arith.constant 0 : i32
    %c0_i32_0 = arith.constant 0 : i32
    %c0_i32_1 = arith.constant 0 : i32
    return %c0_i32, %c0_i32_0 : i32, i32
  }
  func.func @transform_13(%arg0: i32) -> (i32, i32) {
    %c0_i32 = arith.constant 0 : i32
    %c0_i32_0 = arith.constant 0 : i32
    %c0_i32_1 = arith.constant 0 : i32
    return %c0_i32, %c0_i32_0 : i32, i32
  }
  func.func @transform_14(%arg0: i32) -> (i32, i32) {
    %c0_i32 = arith.constant 0 : i32
    %c0_i32_0 = arith.constant 0 : i32
    %c0_i32_1 = arith.constant 0 : i32
    return %c0_i32, %c0_i32_0 : i32, i32
  }
  func.func @transform_15(%arg0: i32) -> (i32, i32) {
    %c0_i32 = arith.constant 0 : i32
    %c0_i32_0 = arith.constant 0 : i32
    %c0_i32_1 = arith.constant 0 : i32
    return %c0_i32, %c0_i32_0 : i32, i32
  }
  func.func @transform_16(%arg0: i32) -> (i32, i32) {
    %c0_i32 = arith.constant 0 : i32
    %c0_i32_0 = arith.constant 0 : i32
    %c0_i32_1 = arith.constant 0 : i32
    return %c0_i32, %c0_i32_0 : i32, i32
  }
  func.func @transform_17(%arg0: i32) -> (i32, i32) {
    %c0_i32 = arith.constant 0 : i32
    %c0_i32_0 = arith.constant 0 : i32
    %c0_i32_1 = arith.constant 0 : i32
    return %c0_i32, %c0_i32_0 : i32, i32
  }
  func.func @transform_18(%arg0: i32) -> (i32, i32) {
    %c0_i32 = arith.constant 0 : i32
    %c0_i32_0 = arith.constant 0 : i32
    %c0_i32_1 = arith.constant 0 : i32
    return %c0_i32, %c0_i32_0 : i32, i32
  }
  func.func @transform_19(%arg0: i32) -> (i32, i32) {
    %c0_i32 = arith.constant 0 : i32
    %c0_i32_0 = arith.constant 0 : i32
    %c0_i32_1 = arith.constant 0 : i32
    return %c0_i32, %c0_i32_0 : i32, i32
  }
  func.func @transform_20(%arg0: i32) -> (i32, i32) {
    %c0_i32 = arith.constant 0 : i32
    %c0_i32_0 = arith.constant 0 : i32
    %c0_i32_1 = arith.constant 0 : i32
    return %c0_i32, %c0_i32_0 : i32, i32
  }
  func.func @transform_21(%arg0: i32) -> (i32, i32) {
    %c0_i32 = arith.constant 0 : i32
    %c0_i32_0 = arith.constant 0 : i32
    %c0_i32_1 = arith.constant 0 : i32
    return %c0_i32, %c0_i32_0 : i32, i32
  }
  func.func @transform_22(%arg0: i32) -> (i32, i32) {
    %c0_i32 = arith.constant 0 : i32
    %c0_i32_0 = arith.constant 0 : i32
    %c0_i32_1 = arith.constant 0 : i32
    return %c0_i32, %c0_i32_0 : i32, i32
  }
  func.func @transform_23(%arg0: i32) -> (i32, i32) {
    %c0_i32 = arith.constant 0 : i32
    %c0_i32_0 = arith.constant 0 : i32
    %c0_i32_1 = arith.constant 0 : i32
    return %c0_i32, %c0_i32_0 : i32, i32
  }
  func.func @transform_24(%arg0: i32) -> (i32, i32) {
    %c0_i32 = arith.constant 0 : i32
    %c0_i32_0 = arith.constant 0 : i32
    %c0_i32_1 = arith.constant 0 : i32
    return %c0_i32, %c0_i32_0 : i32, i32
  }
  func.func @transform_25(%arg0: i32) -> (i32, i32) {
    %c0_i32 = arith.constant 0 : i32
    %c0_i32_0 = arith.constant 0 : i32
    %c0_i32_1 = arith.constant 0 : i32
    return %c0_i32, %c0_i32_0 : i32, i32
  }
  func.func @transform_26(%arg0: i32) -> (i32, i32) {
    %c0_i32 = arith.constant 0 : i32
    %c0_i32_0 = arith.constant 0 : i32
    %c0_i32_1 = arith.constant 0 : i32
    return %c0_i32, %c0_i32_0 : i32, i32
  }
  func.func @transform_27(%arg0: i32) -> (i32, i32) {
    %c0_i32 = arith.constant 0 : i32
    %c0_i32_0 = arith.constant 0 : i32
    return %arg0, %c0_i32 : i32, i32
  }
}

</mosaic_0001>

<sc_bundles>
// kernel: kernel.5.cloned.1.call-start
scs
__scs_entry_jumppad:
0x0: {  	(pc) =	sbr.rel $0x88, $3  }
0x1: {  	(tag) =	ssettag $0x0;
	lr =	simm.s32 $0x1  }
0x2: {  	[smem:$0x3F86] =	sst lr;
	_ =	strace $0xD0000000  }
0x3: {  	_ = 	snop  }
0x4: {  	_ = 	snop  }
0x5: {  	_ = 	snop  }
0x6: {  	_ = 	snop  }
0x7: {  	_ = 	snop  }
__scs_overlays_trampoline_lowered:
0x8: {  	[smem:$0x3F95] =	sst s0  }
0x9: {  	[smem:$0x3F96] =	sst s1  }
0xa: {  	[smem:$0x3F97] =	sst s2  }
0xb: {  	[smem:$0x3F98] =	sst s3  }
0xc: {  	[smem:$0x3F99] =	sst s4  }
0xd: {  	[smem:$0x3F9A] =	sst s5  }
0xe: {  	[smem:$0x3F9B] =	sst s6  }
0xf: {  	[smem:$0x3F9C] =	sst s7  }
0x10: {  	[smem:$0x3F9D] =	sst s8  }
0x11: {  	[smem:$0x3F9E] =	sst s9;
	s0 =	simm.s32 @!p0 $0x0  }
0x12: {  	s1 =	sld [smem:$0x3F84];
	s0 =	simm.s32 @p0 $0x1  }
0x13: {  	[smem:$0x3F9F] =	sst s0;
	s0 =	simm.s32 @!p1 $0x0  }
0x14: {  	s2 =	sld [smem:$0x3F83];
	s0 =	simm.s32 @p1 $0x1  }
0x15: {  	[smem:$0x3FA0] =	sst s0;
	s0 =	simm.s32 @!p2 $0x0  }
0x16: {  	s3 =	sld [smem:$0x3FDB];
	s0 =	simm.s32 @p2 $0x1  }
0x17: {  	s4 =	simm.s32 $0x1BF5;
	[smem:$0x3FA2] =	sst s0  }
0x18: {  	s0 =	sld [smem:$0x3F85];
	_ =	swait.ge [sflag:s4], $0x0  }
0x19: {  	s7 =	sld [smem:$0x3F86]  }
0x1a: {  	s8 =	sadd.s32 $0xFFFFE003, lr  }
0x1b: {  	s9 =	sadd.s32 $0xFFFFFEF7, lr;
	s5 =	simm.s32 $0xFFFFFFFF;
	p2 =	slt.u32 s8, $0xFFFFF086  }
0x1c: {  	p1 =	slt.u32 s9, $0xF7A;
	s5 =	simm.s32 @!p2 $0x0  }
0x1d: {  	s5 =	simm.s32 @p1 $0x1;
	p0 =	seq.s32 s7, s2  }
0x1e: {  	s7 =	smul.u32 @!p0 $0xF7A, s2;
	p2 =	seq.s32 @!p0 s5, $0x0  }
0x1f: {  	s9 =	smul.u32 $0xF7A, s1;
	s8 =	simm.s32 @!p0 $0x1BF5;
	p2 =	por !p2, p0  }
0x20: {  	[sflag:s8] =	ssyncset.s32 @!p0 $0xFFFFF086;
	s6 =	sadd.s32 @!p0 s3, s7;
	s7 =	simm.s32 @!p0 $0x108  }
0x21: {  	s3 =	sadd.s32 s3, s9;
	s6 =	sadd.s32 @!p0 $0x88, s6;
	s7 =	simm.s32 @p2 $0x1082  }
0x22: {  	[simem:s7], [sflag:s8] =	dma.local @!p0 [hbm:s6], $0xF7A  }
0x23: {  	s9 =	sor.u32 $0xD0000000, s2;
	s6 =	simm.s32 $0x108;
	_ =	swait.ge @!p0 [sflag:s8], $0x0  }
0x24: {  	s3 =	sadd.s32 $0x88, s3;
	s6 =	simm.s32 @!p1 $0x1082;
	[sflag:s4] =	ssyncset.s32 $0xFFFFF086  }
0x25: {  	[simem:s6], [sflag:s4] =	dma.local [hbm:s3], $0xF7A  }
0x26: {  	[smem:$0x3F86] =	sst s1;
	(tag) =	ssettag s2;
	_ =	strace s9  }
0x27: {  	s1 =	sld [smem:$0x3F96]  }
0x28: {  	s2 =	sld [smem:$0x3F97]  }
0x29: {  	s4 =	sld [smem:$0x3F99]  }
0x2a: {  	p0 =	seq.s32 s5, $0x0;
	s5 =	sld [smem:$0x3F9A]  }
0x2b: {  	s6 =	sld [smem:$0x3F9B]  }
0x2c: {  	s7 =	sld [smem:$0x3F9C]  }
0x2d: {  	s3 =	simm.s32 $0x108;
	s8 =	sld [smem:$0x3F9D]  }
0x2e: {  	s3 =	simm.s32 @!p0 $0x1082;
	s9 =	sld [smem:$0x3F9E]  }
0x2f: {  	lr =	sadd.s32 s0, s3;
	s0 =	sld [smem:$0x3F95]  }
0x30: {  	s3 =	sld [smem:$0x3F98]  }
0x31: {  	[smem:$0x3FA1] =	sst s10  }
0x32: {  	s10 =	sld [smem:$0x3F9F];
	_ =	sdelay $0x3  }
0x33: {  	p0 =	seq.s32 s10, $0x1;
	s10 =	sld [smem:$0x3FA1];
	_ =	sdelay $0x3  }
0x34: {  	[smem:$0x3FA1] =	sst s10  }
0x35: {  	s10 =	sld [smem:$0x3FA0];
	_ =	sdelay $0x3  }
0x36: {  	p1 =	seq.s32 s10, $0x1;
	s10 =	sld [smem:$0x3FA1];
	_ =	sdelay $0x3  }
0x37: {  	[smem:$0x3FA1] =	sst s10  }
0x38: {  	s10 =	sld [smem:$0x3FA2]  }
0x39: {  	_ = 	snop;
	(pc) =	sbr.ind lr, $3  }
0x3a: {  	_ = 	snop  }
0x3b: {  	_ = 	snop  }
0x3c: {  	p2 =	seq.s32 s10, $0x1;
	s10 =	sld [smem:$0x3FA1]  }
0x3d: {  	_ =	shalt  }
0x3e: {  	_ =	shalt  }
0x3f: {  	_ =	shalt  }
0x40: {  	_ =	shalt  }
0x41: {  	_ =	shalt  }
0x42: {  	_ =	shalt  }
0x43: {  	_ =	shalt  }
0x44: {  	_ =	shalt  }
0x45: {  	_ =	shalt  }
0x46: {  	_ =	shalt  }
0x47: {  	_ =	shalt  }
0x48: {  	_ =	shalt  }
0x49: {  	_ =	shalt  }
0x4a: {  	_ =	shalt  }
0x4b: {  	_ =	shalt  }
0x4c: {  	_ =	shalt  }
0x4d: {  	_ =	shalt  }
0x4e: {  	_ =	shalt  }
0x4f: {  	_ =	shalt  }
0x50: {  	_ =	shalt  }
0x51: {  	_ =	shalt  }
0x52: {  	_ =	shalt  }
0x53: {  	_ =	shalt  }
0x54: {  	_ =	shalt  }
0x55: {  	_ =	shalt  }
0x56: {  	_ =	shalt  }
0x57: {  	_ =	shalt  }
0x58: {  	_ =	shalt  }
0x59: {  	_ =	shalt  }
0x5a: {  	_ =	shalt  }
0x5b: {  	_ =	shalt  }
0x5c: {  	_ =	shalt  }
0x5d: {  	_ =	shalt  }
0x5e: {  	_ =	shalt  }
0x5f: {  	_ =	shalt  }
0x60: {  	_ =	shalt  }
0x61: {  	_ =	shalt  }
0x62: {  	_ =	shalt  }
0x63: {  	_ =	shalt  }
0x64: {  	_ =	shalt  }
0x65: {  	_ =	shalt  }
0x66: {  	_ =	shalt  }
0x67: {  	_ =	shalt  }
0x68: {  	_ =	shalt  }
0x69: {  	_ =	shalt  }
0x6a: {  	_ =	shalt  }
0x6b: {  	_ =	shalt  }
0x6c: {  	_ =	shalt  }
0x6d: {  	_ =	shalt  }
0x6e: {  	_ =	shalt  }
0x6f: {  	_ =	shalt  }
0x70: {  	_ =	shalt  }
0x71: {  	_ =	shalt  }
0x72: {  	_ =	shalt  }
0x73: {  	_ =	shalt  }
0x74: {  	_ =	shalt  }
0x75: {  	_ =	shalt  }
0x76: {  	_ =	shalt  }
0x77: {  	_ =	shalt  }
0x78: {  	_ =	shalt  }
0x79: {  	_ =	shalt  }
0x7a: {  	_ =	shalt  }
0x7b: {  	_ =	shalt  }
0x7c: {  	_ =	shalt  }
0x7d: {  	_ =	shalt  }
0x7e: {  	_ =	shalt  }
0x7f: {  	_ =	shalt  }
0x80: {  	_ =	shalt  }
0x81: {  	_ =	shalt  }
0x82: {  	_ =	shalt  }
0x83: {  	_ =	shalt  }
0x84: {  	_ =	shalt  }
0x85: {  	_ =	shalt  }
0x86: {  	_ =	shalt  }
0x87: {  	_ =	shalt  }
.Lfunc_end0:
.L_simem_size_0:
called_computation_lowered:
.L_overlay_start_0:
0x88: {  	s2 =	sld [smem:$0x3FD9]  }
0x89: {  	s3 =	sld [smem:$0x3FFE];
	_ =	sdelay $0x1  }
0x8a: {  	s1 =	srdreg.scid  }
0x8b: {  	s0 =	sand.u32 $0x1, s1  }
0x8c: {  	s17 =	sshll.u32 s0, $0xA;
	s2 =	sadd.s32 s3, s2  }
0x8d: {  	s2 =	sadd.s32 s2, s17  }
0x8e: {  	[smem:$0x3FAD] =	sst s2  }
0x8f: {  	_ = 	snop  }
0x90: {  	s2 =	sld [smem:$0x3FC9]  }
0x91: {  	s18 =	sld [smem:$0x3FC4]  }
0x92: {  	s4 =	sld [smem:$0x3FD0];
	(tm) =	ssettm $0x1  }
0x93: {  	s5 =	sld [smem:$0x3FFB];
	_ =	sdelay $0x3  }
0x94: {  	_ =	strace s5  }
0x95: {  	s5 =	sld [smem:$0x3FFC];
	_ =	sdelay $0x3  }
0x96: {  	_ =	strace s5  }
0x97: {  	s5 =	sld [smem:$0x3FFD];
	_ =	sdelay $0x3  }
0x98: {  	_ =	strace s5  }
0x99: {  	_ =	strace $0x8FFFFFFF  }
0x9a: {  	s19 =	sld [smem:$0x3FDB];
	_ =	sdelay $0x1  }
0x9b: {  	s6 =	simm.s32 $_scs_section_size  }
0x9c: {  	s7 =	simm.s32 $_size__tile_overlayer_lowered;
	s8 =	simm.s32 $_tile_overlayer_lowered  }
0x9d: {  	s22 =	simm.s32 $0x1BFF;
	s21 =	sshll.u32 s8, $0x1;
	s5 =	sadd.s32 s6, s19  }
0x9e: {  	s9 =	simm.s32 $0x0;
	s20 =	sshll.u32 s7, $0x1;
	s7 =	sadd.s32 s21, s5  }
0x9f: {  	[timem:s9], [sflag:s22] =	dma.local [hbm:s7], s20  }
0xa0: {  	_ =	swait.ge [sflag:s22], s20  }
0xa1: {  	s6 =	ssub.s32 $0x0, s20;
	[sflag:s22] =	ssyncset.done $0x0  }
0xa2: {  	[sflag:s22] =	ssyncadd.s32 s6;
	_ =	sdelay $0x1  }
0xa3: {  	s23 =	simm.s32 $0x1B8B  }
0xa4: {  	_ =	swait.ge [sflag:s23], $0x1  }
0xa5: {  	[sflag:s23] =	ssyncset.done $0x0  }
0xa6: {  	s25 =	simm.s32 $0x1B8E;
	s24 =	sld [smem:$0x3FFE];
	[sflag:s23] =	ssyncadd.s32 $0xFFFFFFFF  }
0xa7: {  	s26 =	simm.s32 $execute0_lowered;
	[smem:$0x3FD2] =	sst s25  }
0xa8: {  	s7 =	sshll.u32 s26, $0x1;
	_ =	strace $0x80000046;
	[dreg:$0x1] =	wrdreg $0xFFFFFFFF  }
0xa9: {  	s28 =	simm.s32 $_size_execute0_lowered;
	s5 =	sadd.s32 s5, s7;
	[dreg:$0x0] =	wrdreg $0x0  }
0xaa: {  	s7 =	sshll.u32 s28, $0x1;
	[dreg:$0x2] =	wrdreg s5  }
0xab: {  	[dreg:$0x3] =	wrdreg s7  }
0xac: {  	[dreg:$0x4] =	wrdreg $0xC0  }
0xad: {  	_ =	task [dreg:s9], $0x5FFFF  }
0xae: {  	[dreg:$0x1] =	wrdreg $0xFFFFFFFF  }
0xaf: {  	[dreg:$0x0] =	wrdreg $0x60  }
0xb0: {  	[dreg:$0x2] =	wrdreg s2  }
0xb1: {  	[dreg:$0x3] =	wrdreg s18  }
0xb2: {  	[dreg:$0x4] =	wrdreg s24  }
0xb3: {  	[dreg:$0x5] =	wrdreg s4  }
0xb4: {  	[dreg:$0x6] =	wrdreg $0x9  }
0xb5: {  	_ =	task.clear_ibuf [dreg:s9], $0x7FFFF;
	_ =	strace $0x90000046  }
0xb6: {  	s29 =	simm.s32 $0x9;
	_ =	strace $0x80000048  }
0xb7: {  	_ =	swait.ge [sflag:s29], $0x1  }
0xb8: {  	[sflag:s29] =	ssyncadd.s32 $0xFFFFFFFF  }
0xb9: {  	_ =	strace $0x90000048  }
0xba: {  	_ =	sfence  }
0xbb: {  	s30 =	sld [smem:$0x0];
	_ =	sdelay $0x2  }
0xbc: {  	s31 =	sshll.u32 s1, $0xD;
	s1 =	sshrl.u32 s1, $0x2  }
0xbd: {  	s3 =	sand.u32 $0x4000, s31;
	s1 =	sadd.s32 s1, s30  }
0xbe: {  	s0 =	sor.u32 s3, s0;
	s1 =	sshll.u32 s1, $0x11  }
0xbf: {  	s0 =	sor.u32 s1, s0  }
0xc0: {  	s0 =	sadd.s32 $0x8F2B, s0  }
0xc1: {  	[sflag:s0] =	ssyncadd.remote.s32 $0x1  }
0xc2: {  	_ =	sfence.sel $0xFFFF  }
0xc3: {  	[dreg:$0x0] =	wrdreg $0xFFFFFFFF;
	(pc) =	sbr.abs _section_cstart, $3  }
0xc4: {  	[dreg:$0x1] =	wrdreg $0xFFFFFFFF  }
0xc5: {  	_ =	task.clear_ibuf [dreg:s9], $0x2FFFF;
	_ =	strace $0x9FFFFFFF  }
0xc6: {  	(tm) =	ssettm $0x7FFFFFFF  }
0xc7: {  	_ =	shalt  }
tec
execute0_lowered:
.L_overlay_start_1:
0x0: {  	(tag) =	ssettag $0x1  }
0x1: {  	s4 =	rddreg [dreg:$0x0]  }
0x2: {  	s14 =	rddreg [dreg:$0x1];
	s1 =	srdreg.scid  }
0x3: {  	s24 =	rddreg [dreg:$0x2];
	s0 =	stileid.u32;
	s29 =	sand.u32 $0x1, s1  }
0x4: {  	s2 =	rddreg [dreg:$0x3];
	s5 =	sshll.u32 s0, $0xA;
	s6 =	sshll.u32 s29, $0x9  }
0x5: {  	s3 =	simm.s32 $0x0;
	s1 =	rddreg [dreg:$0x4];
	s25 =	sor.u32 s6, s5  }
0x6: {  	[smem:$0x7FF] =	sst s3;
	s15 =	sshrl.u32 s25, $0x3  }
0x7: {  	_ =	strace $0x80000047;
	s5 =	simm.s32 $0x5;
	s4 =	sadd.s32 s4, s15  }
0x8: {  	[tilespmem:s3], [sflag:$0x5] =	stream.linear.gather [hbm4b:s4+s3], $0x200, $0x38;
	[tilespmem:$0x10400] =	vst v63  }
0x9: {  	_ =	swait.ge [sflag:s5], $0x200  }
0xa: {  	s7 =	simm.s32 $0x80;
	[sflag:s5] =	ssyncset.done $0x0  }
0xb: {  	s8 =	simm.s32 $0x400;
	s6 =	sadd.s32 $0x2EE400, s24;
	[sflag:s5] =	ssyncadd.s32 $0xFFFFFE00  }
0xc: {  	[tilespmem:s8], [sflag:$0x1] =	stream.indirect.gather [hbm4b:s6+s7], $0x40, s3, s7, $0xb8;
	[tilespmem:$0x10400] =	vst v63  }
0xd: {  	s9 =	simm.s32 $0x2400  }
0xe: {  	[tilespmem:s9], [sflag:$0x1] =	stream.indirect.gather [hbm4b:s6+s7], $0x40, s7, s7, $0xb8;
	[tilespmem:$0x10400] =	vst v63  }
0xf: {  	s10 =	simm.s32 $0x100;
	s11 =	simm.s32 $0x4400  }
0x10: {  	[tilespmem:s11], [sflag:$0x1] =	stream.indirect.gather [hbm4b:s6+s7], $0x40, s10, s7, $0xb8;
	[tilespmem:$0x10400] =	vst v63  }
0x11: {  	s12 =	simm.s32 $0x180;
	s13 =	simm.s32 $0x6400  }
0x12: {  	[tilespmem:s13], [sflag:$0x1] =	stream.indirect.gather [hbm4b:s6+s7], $0x40, s12, s7, $0xb8;
	[tilespmem:$0x10400] =	vst v63  }
0x13: {  	s14 =	sadd.s32 s14, s15;
	s15 =	simm.s32 $0x200  }
0x14: {  	[tilespmem:s15], [sflag:$0x5] =	stream.linear.gather [hbm4b:s14+s3], $0x200, $0x38;
	[tilespmem:$0x10400] =	vst v63  }
0x15: {  	_ =	swait.ge [sflag:s5], $0x200  }
0x16: {  	[sflag:s5] =	ssyncset.done $0x0  }
0x17: {  	s16 =	simm.s32 $0x8400;
	[sflag:s5] =	ssyncadd.s32 $0xFFFFFE00  }
0x18: {  	[tilespmem:s16], [sflag:$0x2] =	stream.indirect.gather [hbm4b:s2+s7], $0x40, s15, s7, $0xb8;
	[tilespmem:$0x10400] =	vst v63  }
0x19: {  	s17 =	simm.s32 $0x280;
	s18 =	simm.s32 $0xA400  }
0x1a: {  	[tilespmem:s18], [sflag:$0x2] =	stream.indirect.gather [hbm4b:s2+s7], $0x40, s17, s7, $0xb8;
	[tilespmem:$0x10400] =	vst v63  }
0x1b: {  	s19 =	simm.s32 $0x300;
	s20 =	simm.s32 $0xC400  }
0x1c: {  	[tilespmem:s20], [sflag:$0x2] =	stream.indirect.gather [hbm4b:s2+s7], $0x40, s19, s7, $0xb8;
	[tilespmem:$0x10400] =	vst v63  }
0x1d: {  	s21 =	simm.s32 $0x380;
	s22 =	simm.s32 $0xE400;
	s23 =	simm.s32 $0x1  }
0x1e: {  	[tilespmem:s22], [sflag:$0x2] =	stream.indirect.gather [hbm4b:s2+s7], $0x40, s21, s7, $0xb8;
	[tilespmem:$0x10400] =	vst v63  }
0x1f: {  	_ =	swait.ge [sflag:s23], $0x2000  }
0x20: {  	[sflag:s23] =	ssyncset.done $0x0  }
0x21: {  	[sflag:s23] =	ssyncadd.s32 $0xFFFFE000  }
0x22: {  	_ =	swait.ge [sflag:s23], $0x2000  }
0x23: {  	[sflag:s23] =	ssyncset.done $0x0  }
0x24: {  	[sflag:s23] =	ssyncadd.s32 $0xFFFFE000  }
0x25: {  	_ =	swait.ge [sflag:s23], $0x2000  }
0x26: {  	[sflag:s23] =	ssyncset.done $0x0  }
0x27: {  	[sflag:s23] =	ssyncadd.s32 $0xFFFFE000  }
0x28: {  	s25 =	sshll.u32 s25, $0x4;
	_ =	swait.ge [sflag:s23], $0x2000  }
0x29: {  	s26 =	simm.s32 $0x2;
	s28 =	sadd.s32 s25, s24;
	[sflag:s23] =	ssyncset.done $0x0  }
0x2a: {  	s25 =	simm.s32 $0x40;
	s24 =	sadd.s32 $0x5600, s28;
	[sflag:s23] =	ssyncadd.s32 $0xFFFFE000  }
0x2b: {  	[hbm4b:s24+s25] =	stream.strided.scatter [tilespmem:s8], [sflag:$0x3], $0x8000, s7, s25, $0x38;
	[tilespmem:$0x10400] =	vst v63  }
0x2c: {  	_ =	swait.ge [sflag:s26], $0x2000  }
0x2d: {  	[sflag:s26] =	ssyncset.done $0x0  }
0x2e: {  	[sflag:s26] =	ssyncadd.s32 $0xFFFFE000  }
0x2f: {  	_ =	swait.ge [sflag:s26], $0x2000  }
0x30: {  	[sflag:s26] =	ssyncset.done $0x0  }
0x31: {  	[sflag:s26] =	ssyncadd.s32 $0xFFFFE000  }
0x32: {  	_ =	swait.ge [sflag:s26], $0x2000  }
0x33: {  	s30 =	ssub.s32 $0x2, s29;
	[sflag:s26] =	ssyncset.done $0x0  }
0x34: {  	s31 =	sshrl.u32 s30, $0x1;
	[sflag:s26] =	ssyncadd.s32 $0xFFFFE000  }
0x35: {  	s30 =	ssub.s32 s30, s31;
	_ =	swait.ge [sflag:s26], $0x2000  }
0x36: {  	s29 =	simm.s32 $0x3;
	s31 =	smax.u32 s30, $0x1;
	[sflag:s26] =	ssyncset.done $0x0  }
0x37: {  	s28 =	sadd.s32 $0x5608, s28;
	p0 =	sne.s32 s31, $0x1;
	[sflag:s26] =	ssyncadd.s32 $0xFFFFE000  }
0x38: {  	[hbm4b:s28+s25] =	stream.strided.scatter [tilespmem:s16], [sflag:$0x4], $0x8000, s7, s25, $0x38;
	[tilespmem:$0x10400] =	vst v63  }
.Ltmp0:
0x39: {  	_ =	swait.ge [sflag:s29], $0x8000;
	(pc) =	sbr.rel @!p0 .LBB2_2-.Ltmp0, $4  }
0x3a: {  	[sflag:s29] =	ssyncset.done $0x0  }
0x3b: {  	s30 =	simm.s32 $0x4;
	[sflag:s29] =	ssyncadd.s32 $0xFFFF8000  }
0x3c: {  	_ =	swait.ge [sflag:s30], $0x8000  }
0x3d: {  	s31 =	sadd.s32 $0xFFFFFFFF, s31;
	[sflag:s30] =	ssyncset.done $0x0  }
.LBB2_1:
0x3e: {  	p0 =	sne.s32 s31, $0x1;
	s31 =	sadd.s32 $0xFFFFFFFF, s31;
	[sflag:s30] =	ssyncadd.s32 $0xFFFF8000  }
0x3f: {  	[tilespmem:s3], [sflag:$0x5] =	stream.linear.gather [hbm4b:s4+s3], $0x200, $0x38;
	[tilespmem:$0x10400] =	vst v63  }
0x40: {  	_ =	swait.ge [sflag:s5], $0x200  }
0x41: {  	[sflag:s5] =	ssyncset.done $0x0  }
0x42: {  	[sflag:s5] =	ssyncadd.s32 $0xFFFFFE00  }
0x43: {  	[tilespmem:s8], [sflag:$0x1] =	stream.indirect.gather [hbm4b:s6+s7], $0x40, s3, s7, $0xb8;
	[tilespmem:$0x10400] =	vst v63  }
0x44: {  	_ = 	snop  }
0x45: {  	[tilespmem:s9], [sflag:$0x1] =	stream.indirect.gather [hbm4b:s6+s7], $0x40, s7, s7, $0xb8;
	[tilespmem:$0x10400] =	vst v63  }
0x46: {  	_ = 	snop  }
0x47: {  	[tilespmem:s11], [sflag:$0x1] =	stream.indirect.gather [hbm4b:s6+s7], $0x40, s10, s7, $0xb8;
	[tilespmem:$0x10400] =	vst v63  }
0x48: {  	_ = 	snop  }
0x49: {  	[tilespmem:s13], [sflag:$0x1] =	stream.indirect.gather [hbm4b:s6+s7], $0x40, s12, s7, $0xb8;
	[tilespmem:$0x10400] =	vst v63  }
0x4a: {  	_ = 	snop  }
0x4b: {  	[tilespmem:s15], [sflag:$0x5] =	stream.linear.gather [hbm4b:s14+s3], $0x200, $0x38;
	[tilespmem:$0x10400] =	vst v63  }
0x4c: {  	_ =	swait.ge [sflag:s5], $0x200  }
0x4d: {  	[sflag:s5] =	ssyncset.done $0x0  }
0x4e: {  	[sflag:s5] =	ssyncadd.s32 $0xFFFFFE00  }
0x4f: {  	[tilespmem:s16], [sflag:$0x2] =	stream.indirect.gather [hbm4b:s2+s7], $0x40, s15, s7, $0xb8;
	[tilespmem:$0x10400] =	vst v63  }
0x50: {  	_ = 	snop  }
0x51: {  	[tilespmem:s18], [sflag:$0x2] =	stream.indirect.gather [hbm4b:s2+s7], $0x40, s17, s7, $0xb8;
	[tilespmem:$0x10400] =	vst v63  }
0x52: {  	_ = 	snop  }
0x53: {  	[tilespmem:s20], [sflag:$0x2] =	stream.indirect.gather [hbm4b:s2+s7], $0x40, s19, s7, $0xb8;
	[tilespmem:$0x10400] =	vst v63  }
0x54: {  	_ = 	snop  }
0x55: {  	[tilespmem:s22], [sflag:$0x2] =	stream.indirect.gather [hbm4b:s2+s7], $0x40, s21, s7, $0xb8;
	[tilespmem:$0x10400] =	vst v63  }
0x56: {  	_ =	swait.ge [sflag:s23], $0x2000  }
0x57: {  	[sflag:s23] =	ssyncset.done $0x0  }
0x58: {  	[sflag:s23] =	ssyncadd.s32 $0xFFFFE000  }
0x59: {  	_ =	swait.ge [sflag:s23], $0x2000  }
0x5a: {  	[sflag:s23] =	ssyncset.done $0x0  }
0x5b: {  	[sflag:s23] =	ssyncadd.s32 $0xFFFFE000  }
0x5c: {  	_ =	swait.ge [sflag:s23], $0x2000  }
0x5d: {  	[sflag:s23] =	ssyncset.done $0x0  }
0x5e: {  	[sflag:s23] =	ssyncadd.s32 $0xFFFFE000  }
0x5f: {  	_ =	swait.ge [sflag:s23], $0x2000  }
0x60: {  	[sflag:s23] =	ssyncset.done $0x0  }
0x61: {  	[sflag:s23] =	ssyncadd.s32 $0xFFFFE000  }
0x62: {  	[hbm4b:s24+s25] =	stream.strided.scatter [tilespmem:s8], [sflag:$0x3], $0x8000, s7, s25, $0x38;
	[tilespmem:$0x10400] =	vst v63  }
0x63: {  	_ =	swait.ge [sflag:s26], $0x2000  }
0x64: {  	[sflag:s26] =	ssyncset.done $0x0  }
0x65: {  	[sflag:s26] =	ssyncadd.s32 $0xFFFFE000  }
0x66: {  	_ =	swait.ge [sflag:s26], $0x2000  }
0x67: {  	[sflag:s26] =	ssyncset.done $0x0  }
0x68: {  	[sflag:s26] =	ssyncadd.s32 $0xFFFFE000  }
0x69: {  	_ =	swait.ge [sflag:s26], $0x2000  }
0x6a: {  	[sflag:s26] =	ssyncset.done $0x0  }
0x6b: {  	[sflag:s26] =	ssyncadd.s32 $0xFFFFE000  }
0x6c: {  	_ =	swait.ge [sflag:s26], $0x2000  }
0x6d: {  	[sflag:s26] =	ssyncset.done $0x0  }
0x6e: {  	[sflag:s26] =	ssyncadd.s32 $0xFFFFE000  }
0x6f: {  	[hbm4b:s28+s25] =	stream.strided.scatter [tilespmem:s16], [sflag:$0x4], $0x8000, s7, s25, $0x38;
	[tilespmem:$0x10400] =	vst v63  }
.Ltmp1:
0x70: {  	_ =	swait.ge [sflag:s29], $0x8000;
	(pc) =	sbr.rel @p0 .LBB2_1-.Ltmp1, $4  }
0x71: {  	[sflag:s29] =	ssyncset.done $0x0  }
0x72: {  	[sflag:s29] =	ssyncadd.s32 $0xFFFF8000  }
0x73: {  	_ =	swait.ge [sflag:s30], $0x8000  }
0x74: {  	[sflag:s30] =	ssyncset.done $0x0  }
.LBB2_2:
0x75: {  	[sflag:s30] =	ssyncadd.s32 $0xFFFF8000  }
0x76: {  	_ =	sfence.sel $0x180000  }
0x77: {  	[bflag:$0x0] =	sbarrier.arrive $0xFFFF  }
0x78: {  	p0 =	sne.s32 s0, $0x0;
	_ =	strace $0x90000047  }
0x79: {  	s0 =	sadd.s32 @!p0 $0x100000, s1;
	[bflag:$0x2] =	sbarrier.arrive $0xFFFF  }
0x7a: {  	[sflag:s0] =	ssyncadd.tile.s32 @!p0 $0x1;
	_ =	shalt  }
.Lfunc_end2:
_tile_overlayer_lowered:
.L_overlay_start_2:
0x7b: {  	(tag) =	ssettag $0x2  }
0x7c: {  	s0 =	rddreg [dreg:$0x0];
	s2 =	stileid.u32  }
0x7d: {  	s1 =	rddreg [dreg:$0x1];
	p0 =	sne.s32 s2, $0x0  }
0x7e: {  	s3 =	rddreg [dreg:$0x2];
	[bflag:$0x3] =	sbarrier.arrive $0xFFFF;
	s2 =	simm.s32 @!p0 $0x1C05  }
0x7f: {  	[timem:s3], [sflag:s2] =	dma.local @!p0 [hbm:s0], s1  }
0x80: {  	s0 =	simm.s32 @!p0 $0x5  }
0x81: {  	_ =	swait.ge @!p0 [sflag:s0], s1  }
0x82: {  	s1 =	ssub.s32 @!p0 $0x0, s1;
	[sflag:s0] =	ssyncset.done @!p0 $0x0  }
0x83: {  	[sflag:s0] =	ssyncadd.s32 @!p0 s1  }
0x84: {  	[bflag:$0x3] =	sbarrier.arrive $0xFFFF  }
0x85: {  	_ =	shalt  }

</sc_bundles>
